<compile_context>
chip_gen: v7x
topology: tpu7x:2x2x1
jax: 0.10.2.dev20260603
libtpu: 0.0.44.dev20260713+nightly
codegen_flags: <defaults>
</compile_context>

<pallas_src>
import functools
import jax
import jax.numpy as jnp
from jax import lax
from jax.experimental import pallas as pl
from jax.experimental.pallas import tpu as pltpu
from jax.experimental.pallas import tpu_sc as plsc

N = 10000
F = 128
E = 320000
NC = 2
NS = 16
CHUNK = 128
DEPTH = 2
IBLK = 8
DUNROLL = 8
NCHUNKS = NC * NS * IBLK * (-(-E // (CHUNK * NC * NS * IBLK)))
E_PAD = NCHUNKS * CHUNK
CPT = NCHUNKS // (NC * NS)
ROWS_PAD = 10240
ZROWS = ROWS_PAD // NS

_sc_mesh = plsc.VectorSubcoreMesh(core_axis_name="c", subcore_axis_name="s")


@jax.jit
def _deg_sc(dst, zeros16):
    @functools.partial(
        pl.kernel,
        out_type=jax.ShapeDtypeStruct((NC, ROWS_PAD, 16), jnp.float32),
        mesh=_sc_mesh,
        scratch_types=[
            pltpu.VMEM_SHARED((ROWS_PAD, 16), jnp.float32),
            pltpu.VMEM((CPT, CHUNK), jnp.int32),
            [pltpu.VMEM((CHUNK,), jnp.int32) for _ in range(DUNROLL)],
            pltpu.VMEM((CHUNK, 16), jnp.float32),
            [pltpu.SemaphoreType.DMA for _ in range(DUNROLL)],
        ],
    )
    def deg_kernel(dst_hbm, z_hbm, out_hbm, acc, didx_b, didx_slots,
                   ones_v, sems):
        c = lax.axis_index("c")
        s = lax.axis_index("s")

        @pl.loop(0, CHUNK)
        def _(i):
            ones_v[i, :] = jnp.full((16,), 1.0, jnp.float32)

        cbase = (c * NS + s) * CPT
        pltpu.sync_copy(dst_hbm.at[pl.ds(cbase, CPT)], didx_b)

        pltpu.sync_copy(z_hbm.at[pl.ds(s * ZROWS, ZROWS)],
                        acc.at[pl.ds(s * ZROWS, ZROWS)])
        plsc.subcore_barrier()

        @pl.loop(0, CPT // DUNROLL)
        def _(k):
            copies = []
            for q in range(DUNROLL):
                j = k * DUNROLL + q
                for i in range(CHUNK // 16):
                    didx_slots[q][pl.ds(i * 16, 16)] = (
                        didx_b[j, pl.ds(i * 16, 16)])
                copies.append(pltpu.async_copy(
                    ones_v, acc.at[didx_slots[q]], sems[q], add=True))
            for cp in copies:
                cp.wait()

        plsc.subcore_barrier()
        pltpu.sync_copy(acc.at[pl.ds(s * ZROWS, ZROWS)],
                        out_hbm.at[c].at[pl.ds(s * ZROWS, ZROWS)])

    return deg_kernel(dst, zeros16)


@jax.jit
def _agg_sc(u, src, dst, zeros128):
    @functools.partial(
        pl.kernel,
        out_type=jax.ShapeDtypeStruct((NC, ROWS_PAD, F), jnp.float32),
        mesh=_sc_mesh,
        scratch_types=[
            pltpu.VMEM_SHARED((ROWS_PAD, F), jnp.float32),
            pltpu.VMEM((IBLK, CHUNK), jnp.int32),
            pltpu.VMEM((IBLK, CHUNK), jnp.int32),
            [pltpu.VMEM((CHUNK,), jnp.int32) for _ in range(DEPTH)],
            [pltpu.VMEM((CHUNK, F), jnp.float32) for _ in range(DEPTH)],
            [pltpu.SemaphoreType.DMA for _ in range(DEPTH)],
            [pltpu.SemaphoreType.DMA for _ in range(DEPTH)],
        ],
    )
    def agg_kernel(u_hbm, src_hbm, dst_hbm, z_hbm, out_hbm,
                   acc, sidx_b, didx_b, didx_one, rows_bufs, gsems, ssems):
        c = lax.axis_index("c")
        s = lax.axis_index("s")

        pltpu.sync_copy(z_hbm.at[pl.ds(s * ZROWS, ZROWS)],
                        acc.at[pl.ds(s * ZROWS, ZROWS)])
        plsc.subcore_barrier()

        cbase = (c * NS + s) * CPT

        @pl.loop(0, CPT // IBLK)
        def _(bk):
            cb = cbase + bk * IBLK
            pltpu.sync_copy(src_hbm.at[pl.ds(cb, IBLK)], sidx_b)
            pltpu.sync_copy(dst_hbm.at[pl.ds(cb, IBLK)], didx_b)

            gath = [None] * DEPTH
            scat = [None] * DEPTH
            for j in range(IBLK + 1):
                if j < IBLK:
                    d = j % DEPTH
                    if scat[d] is not None:
                        scat[d].wait()
                    for i in range(CHUNK // 16):
                        didx_one[d][pl.ds(i * 16, 16)] = (
                            didx_b[j, pl.ds(i * 16, 16)])
                    gath[d] = pltpu.async_copy(u_hbm.at[sidx_b.at[j]],
                                               rows_bufs[d], gsems[d])
                p = j - 1
                if p >= 0:
                    dp = p % DEPTH
                    gath[dp].wait()
                    scat[dp] = pltpu.async_copy(
                        rows_bufs[dp], acc.at[didx_one[dp]], ssems[dp],
                        add=True)
            for d in range(DEPTH):
                if scat[d] is not None:
                    scat[d].wait()

        plsc.subcore_barrier()
        pltpu.sync_copy(acc.at[pl.ds(s * ZROWS, ZROWS)],
                        out_hbm.at[c].at[pl.ds(s * ZROWS, ZROWS)])

    return agg_kernel(u, src, dst, zeros128)


R = 1000


def _dinv_block(deg_ref):
    d = deg_ref[0, :, 0:1] + deg_ref[1, :, 0:1] + 1.0
    return lax.rsqrt(d)


def _k1_body(x_ref, w_ref, deg_ref, u_ref):
    dinv = _dinv_block(deg_ref)
    h = jnp.dot(x_ref[...], w_ref[...], preferred_element_type=jnp.float32,
                precision=lax.Precision.HIGHEST)
    u_ref[...] = h * dinv


@jax.jit
def _k1(x, w1, deg2):
    return pl.pallas_call(
        _k1_body,
        grid=(N // R,),
        in_specs=[
            pl.BlockSpec((R, F), lambda i: (i, 0)),
            pl.BlockSpec((F, F), lambda i: (0, 0)),
            pl.BlockSpec((NC, R, 16), lambda i: (0, i, 0)),
        ],
        out_specs=pl.BlockSpec((R, F), lambda i: (i, 0)),
        out_shape=jax.ShapeDtypeStruct((N, F), jnp.float32),
    )(x, w1, deg2)


def _k23_body(deg_ref, acc_ref, u_ref, b_ref, w_ref, un_ref):
    dinv = _dinv_block(deg_ref)
    sagg = acc_ref[0] + acc_ref[1] + u_ref[...]
    y = jnp.maximum(sagg * dinv + b_ref[...], 0.0)
    h = jnp.dot(y, w_ref[...], preferred_element_type=jnp.float32,
                precision=lax.Precision.HIGHEST)
    un_ref[...] = h * dinv


@jax.jit
def _k23(deg2, accp, u, b_prev, w_next):
    return pl.pallas_call(
        _k23_body,
        grid=(N // R,),
        in_specs=[
            pl.BlockSpec((NC, R, 16), lambda i: (0, i, 0)),
            pl.BlockSpec((NC, R, F), lambda i: (0, i, 0)),
            pl.BlockSpec((R, F), lambda i: (i, 0)),
            pl.BlockSpec((1, F), lambda i: (0, 0)),
            pl.BlockSpec((F, F), lambda i: (0, 0)),
        ],
        out_specs=pl.BlockSpec((R, F), lambda i: (i, 0)),
        out_shape=jax.ShapeDtypeStruct((N, F), jnp.float32),
    )(deg2, accp, u, b_prev, w_next)


def _k4_body(deg_ref, acc_ref, u_ref, b_ref, out_ref):
    dinv = _dinv_block(deg_ref)
    sagg = acc_ref[0] + acc_ref[1] + u_ref[...]
    out_ref[...] = sagg * dinv + b_ref[...]


@jax.jit
def _k4(deg2, accp, u, b_last):
    return pl.pallas_call(
        _k4_body,
        grid=(N // R,),
        in_specs=[
            pl.BlockSpec((NC, R, 16), lambda i: (0, i, 0)),
            pl.BlockSpec((NC, R, F), lambda i: (0, i, 0)),
            pl.BlockSpec((R, F), lambda i: (i, 0)),
            pl.BlockSpec((1, F), lambda i: (0, 0)),
        ],
        out_specs=pl.BlockSpec((R, F), lambda i: (i, 0)),
        out_shape=jax.ShapeDtypeStruct((N, F), jnp.float32),
    )(deg2, accp, u, b_last)


def kernel(x, edge_index, W1, b1, W2, b2, W3, b3):
    src = edge_index[0].astype(jnp.int32)
    dst = edge_index[1].astype(jnp.int32)
    pad = E_PAD - E
    pad_iota = jnp.arange(pad, dtype=jnp.int32)
    src = jnp.concatenate([src, pad_iota % N]).reshape(NCHUNKS, CHUNK)
    dst = jnp.concatenate([dst, N + pad_iota % (ROWS_PAD - N)]
                          ).reshape(NCHUNKS, CHUNK)

    zeros16 = jnp.zeros((ROWS_PAD, 16), jnp.float32)
    zeros128 = jnp.zeros((ROWS_PAD, F), jnp.float32)

    deg2 = _deg_sc(dst, zeros16)

    u = _k1(x, W1, deg2)
    accp = _agg_sc(u, src, dst, zeros128)
    u = _k23(deg2, accp, u, b1.reshape(1, F), W2)
    accp = _agg_sc(u, src, dst, zeros128)
    u = _k23(deg2, accp, u, b2.reshape(1, F), W3)
    accp = _agg_sc(u, src, dst, zeros128)
    return _k4(deg2, accp, u, b3.reshape(1, F))

# --- scband reference (transcript-rebuilt; emitter-appended) ---
"""Pipeline reference for scband-gcn-34230889349670 (READ-ONLY COPY).

The authoritative reference and input builder live on the scoring server;
editing this copy changes nothing except your own understanding.
"""

import jax, jax.numpy as jnp
import numpy as np

N_NODES = 10000


def gcn_conv(x, edge_index, W, b):
    # Linear transform
    h = x @ W
    src = edge_index[0]
    dst = edge_index[1]
    # Add self-loops (GCNConv default)
    loop = jnp.arange(N_NODES, dtype=src.dtype)
    src = jnp.concatenate([src, loop])
    dst = jnp.concatenate([dst, loop])
    # Symmetric normalization: D^-1/2 (A+I) D^-1/2
    deg = jnp.zeros((N_NODES,), dtype=h.dtype).at[dst].add(1.0)
    dinv = jnp.where(deg > 0, jax.lax.rsqrt(deg), 0.0)
    norm = dinv[src] * dinv[dst]
    # Gather messages, scale, scatter-add to destination nodes
    msg = jnp.take(h, src, axis=0) * norm[:, None]
    out = jnp.zeros((N_NODES, W.shape[1]), dtype=h.dtype).at[dst].add(msg)
    return out + b


def setup_inputs(seed: int = 0) -> dict:
    key = jax.random.key(seed)
    k_x, k_e, k1, k2, k3 = jax.random.split(key, 5)
    x = jax.random.normal(k_x, (N_NODES, 128), dtype=jnp.float32)
    edge_index = jax.random.randint(k_e, (2, 320000), 0, N_NODES, dtype=jnp.int64)
    def glorot(k, fan_in, fan_out):
        lim = float(np.sqrt(6.0 / (fan_in + fan_out)))
        return jax.random.uniform(k, (fan_in, fan_out), dtype=jnp.float32, minval=-lim, maxval=lim)
    W1 = glorot(k1, 128, 128)
    W2 = glorot(k2, 128, 128)
    W3 = glorot(k3, 128, 128)
    b1 = jnp.zeros((128,), dtype=jnp.float32)
    b2 = jnp.zeros((128,), dtype=jnp.float32)
    b3 = jnp.zeros((128,), dtype=jnp.float32)
    return {"x": x, "edge_index": edge_index, "W1": W1, "b1": b1, "W2": W2, "b2": b2, "W3": W3, "b3": b3}


def reference(x, edge_index, W1, b1, W2, b2, W3, b3):
    h = gcn_conv(x, edge_index, W1, b1)
    h = jax.nn.relu(h)
    h = gcn_conv(h, edge_index, W2, b2)
    h = jax.nn.relu(h)
    h = gcn_conv(h, edge_index, W3, b3)
    return h

if __name__ == "__main__":
    import jax
    _d = setup_inputs()
    print(jax.jit(kernel)(*tuple(_d.values())))

</pallas_src>

<mosaic_0001>
#map = affine_map<(d0, d1) -> (0, 0)>
#map1 = affine_map<(d0, d1) -> (0, 0, 0)>
module attributes {stable_mosaic.version = 14 : i64} {
  func.func @deg_kernel(%arg0: i32, %arg1: i32, %arg2: memref<2560x128xi32, #tpu.memory_space<hbm>>, %arg3: memref<10240x16xf32, #tpu.memory_space<hbm>>, %arg4: memref<2x10240x16xf32, #tpu.memory_space<hbm>>, %arg5: memref<10240x16xf32, #tpu.memory_space<vmem_shared>>, %arg6: memref<80x128xi32, #tpu.memory_space<vmem>>, %arg7: memref<128xi32, #tpu.memory_space<vmem>>, %arg8: memref<128xi32, #tpu.memory_space<vmem>>, %arg9: memref<128xi32, #tpu.memory_space<vmem>>, %arg10: memref<128xi32, #tpu.memory_space<vmem>>, %arg11: memref<128xi32, #tpu.memory_space<vmem>>, %arg12: memref<128xi32, #tpu.memory_space<vmem>>, %arg13: memref<128xi32, #tpu.memory_space<vmem>>, %arg14: memref<128xi32, #tpu.memory_space<vmem>>, %arg15: memref<128x16xf32, #tpu.memory_space<vmem>>, %arg16: memref<!tpu.dma_semaphore, #tpu.memory_space<semaphore_mem>>, %arg17: memref<!tpu.dma_semaphore, #tpu.memory_space<semaphore_mem>>, %arg18: memref<!tpu.dma_semaphore, #tpu.memory_space<semaphore_mem>>, %arg19: memref<!tpu.dma_semaphore, #tpu.memory_space<semaphore_mem>>, %arg20: memref<!tpu.dma_semaphore, #tpu.memory_space<semaphore_mem>>, %arg21: memref<!tpu.dma_semaphore, #tpu.memory_space<semaphore_mem>>, %arg22: memref<!tpu.dma_semaphore, #tpu.memory_space<semaphore_mem>>, %arg23: memref<!tpu.dma_semaphore, #tpu.memory_space<semaphore_mem>>) attributes {dimension_semantics = [#tpu.dimension_semantics<core_parallel>, #tpu.dimension_semantics<subcore_parallel>], iteration_bounds = array<i64: 2, 16>, scalar_prefetch = 0 : i64, scratch_operands = 19 : i64, tpu.core_type = #tpu.core_type<sc_vector_subcore>, window_params = [{transform_indices = #map}, {transform_indices = #map}, {transform_indices = #map1}]} {
    %scan3A = arith.constant 0 : i32
    %scan3A_0 = arith.constant 128 : i32
    %scan3A_1 = arith.addi %scan3A, %scan3A_0 : i32
    %scan3A_2 = arith.constant 1 : i32
    scf.for %scan3A_21 = %scan3A to %scan3A_1 step %scan3A_2  : i32 {
      %mul3A_22 = arith.constant 1 : i32
      %mul3A_23 = arith.muli %scan3A_21, %mul3A_22 : i32
      %add3A_24 = arith.constant 0 : i32
      %add3A_25 = arith.addi %add3A_24, %mul3A_23 : i32
      %broadcast_in_dim3A = arith.constant 1.000000e+00 : f32
      %broadcast_in_dim3A_26 = vector.broadcast %broadcast_in_dim3A : f32 to vector<16xf32>
      %swap3A = arith.index_cast %add3A_25 : i32 to index
      %swap3A_27 = arith.constant 0 : index
      %swap3A_28 = tpu.vector_load %arg15[%swap3A, %swap3A_27] {strides = array<i32>} : memref<128x16xf32, #tpu.memory_space<vmem>>, vector<1x16xf32>,
      %swap3A_29 = vector.shape_cast %swap3A_28 : vector<1x16xf32> to vector<16xf32>
      %swap3A_30 = vector.shape_cast %broadcast_in_dim3A_26 : vector<16xf32> to vector<1x16xf32>
      tpu.vector_store %arg15[%swap3A, %swap3A_27], %swap3A_30 {strides = array<i32>} : memref<128x16xf32, #tpu.memory_space<vmem>>, vector<1x16xf32>,
    }
    %scan3A_3 = arith.constant 128 : i32
    %mul3A = arith.constant 16 : i32
    %mul3A_4 = arith.muli %arg0, %mul3A : i32
    %add3A = arith.addi %mul3A_4, %arg1 : i32
    %mul3A_5 = arith.constant 80 : i32
    %mul3A_6 = arith.muli %add3A, %mul3A_5 : i32
    "tpu.region"() ({
      %run_scoped3A = tpu.sem_alloc : memref<!tpu.dma_semaphore, #tpu.memory_space<semaphore_mem>>
      %dma_start3A = arith.constant 0 : i32
      %dma_start3A_21 = tpu.memref_slice %arg2[%mul3A_6, %dma_start3A] : memref<2560x128xi32, #tpu.memory_space<hbm>> -> memref<80x128xi32, #tpu.memory_space<hbm>>
      %dma_start3A_22 = arith.constant 0 : i32
      %dma_start3A_23 = tpu.memref_slice %arg2[%mul3A_6, %dma_start3A_22] : memref<2560x128xi32, #tpu.memory_space<hbm>> -> memref<80x128xi32, #tpu.memory_space<hbm>>
      tpu.enqueue_dma source(%dma_start3A_23 : memref<80x128xi32, #tpu.memory_space<hbm>>) target(%arg6 : memref<80x128xi32, #tpu.memory_space<vmem>>) target_semaphore(%run_scoped3A : memref<!tpu.dma_semaphore, #tpu.memory_space<semaphore_mem>>)
      %dma_wait3A = arith.constant 0 : i32
      %dma_wait3A_24 = tpu.memref_slice %arg2[%mul3A_6, %dma_wait3A] : memref<2560x128xi32, #tpu.memory_space<hbm>> -> memref<80x128xi32, #tpu.memory_space<hbm>>
      %dma_wait3A_25 = arith.constant 0 : i32
      %dma_wait3A_26 = tpu.memref_slice %arg2[%mul3A_6, %dma_wait3A_25] : memref<2560x128xi32, #tpu.memory_space<hbm>> -> memref<80x128xi32, #tpu.memory_space<hbm>>
      tpu.wait_dma2 semaphore(%run_scoped3A : memref<!tpu.dma_semaphore, #tpu.memory_space<semaphore_mem>>) src(%dma_wait3A_26 : memref<80x128xi32, #tpu.memory_space<hbm>>) dst(%arg6 : memref<80x128xi32, #tpu.memory_space<vmem>>)
      tpu.yield
    }) : () -> ()
    %mul3A_7 = arith.constant 640 : i32
    %mul3A_8 = arith.muli %arg1, %mul3A_7 : i32
    %mul3A_9 = arith.constant 640 : i32
    %mul3A_10 = arith.muli %arg1, %mul3A_9 : i32
    "tpu.region"() ({
      %run_scoped3A = tpu.sem_alloc : memref<!tpu.dma_semaphore, #tpu.memory_space<semaphore_mem>>
      %dma_start3A = arith.constant 0 : i32
      %dma_start3A_21 = tpu.memref_slice %arg5[%mul3A_10, %dma_start3A] : memref<10240x16xf32, #tpu.memory_space<vmem_shared>> -> memref<640x16xf32, #tpu.memory_space<vmem_shared>>
      %dma_start3A_22 = arith.constant 0 : i32
      %dma_start3A_23 = tpu.memref_slice %arg3[%mul3A_8, %dma_start3A_22] : memref<10240x16xf32, #tpu.memory_space<hbm>> -> memref<640x16xf32, #tpu.memory_space<hbm>>
      tpu.enqueue_dma source(%dma_start3A_23 : memref<640x16xf32, #tpu.memory_space<hbm>>) target(%dma_start3A_21 : memref<640x16xf32, #tpu.memory_space<vmem_shared>>) target_semaphore(%run_scoped3A : memref<!tpu.dma_semaphore, #tpu.memory_space<semaphore_mem>>)
      %dma_wait3A = arith.constant 0 : i32
      %dma_wait3A_24 = tpu.memref_slice %arg5[%mul3A_10, %dma_wait3A] : memref<10240x16xf32, #tpu.memory_space<vmem_shared>> -> memref<640x16xf32, #tpu.memory_space<vmem_shared>>
      %dma_wait3A_25 = arith.constant 0 : i32
      %dma_wait3A_26 = tpu.memref_slice %arg3[%mul3A_8, %dma_wait3A_25] : memref<10240x16xf32, #tpu.memory_space<hbm>> -> memref<640x16xf32, #tpu.memory_space<hbm>>
      tpu.wait_dma2 semaphore(%run_scoped3A : memref<!tpu.dma_semaphore, #tpu.memory_space<semaphore_mem>>) src(%dma_wait3A_26 : memref<640x16xf32, #tpu.memory_space<hbm>>) dst(%dma_wait3A_24 : memref<640x16xf32, #tpu.memory_space<vmem_shared>>)
      tpu.yield
    }) : () -> ()
    %barrier3A = arith.constant 0 : index
    tpu.barrier barrier_id(%barrier3A)
    %scan3A_11 = arith.constant 0 : i32
    %scan3A_12 = arith.constant 10 : i32
    %scan3A_13 = arith.addi %scan3A_11, %scan3A_12 : i32
    %scan3A_14 = arith.constant 1 : i32
    scf.for %scan3A_21 = %scan3A_11 to %scan3A_13 step %scan3A_14  : i32 {
      %mul3A_22 = arith.constant 1 : i32
      %mul3A_23 = arith.muli %scan3A_21, %mul3A_22 : i32
      %add3A_24 = arith.constant 0 : i32
      %add3A_25 = arith.addi %add3A_24, %mul3A_23 : i32
      %mul3A_26 = arith.constant 8 : i32
      %mul3A_27 = arith.muli %add3A_25, %mul3A_26 : i32
      %add3A_28 = arith.constant 0 : i32
      %add3A_29 = arith.addi %mul3A_27, %add3A_28 : i32
      %get3A = arith.index_cast %add3A_29 : i32 to index
      %get3A_30 = arith.constant 0 : index
      %get3A_31 = tpu.vector_load %arg6[%get3A, %get3A_30] {strides = array<i32>} : memref<80x128xi32, #tpu.memory_space<vmem>>, vector<1x16xi32>,
      %get3A_32 = vector.shape_cast %get3A_31 : vector<1x16xi32> to vector<16xi32>
      %swap3A = arith.constant 0 : index
      %swap3A_33 = tpu.vector_load %arg7[%swap3A] {strides = array<i32>} : memref<128xi32, #tpu.memory_space<vmem>>, vector<16xi32>,
      %swap3A_34 = vector.shape_cast %swap3A_33 : vector<16xi32> to vector<16xi32>
      %swap3A_35 = vector.shape_cast %get3A_32 : vector<16xi32> to vector<16xi32>
      tpu.vector_store %arg7[%swap3A], %swap3A_35 {strides = array<i32>} : memref<128xi32, #tpu.memory_space<vmem>>, vector<16xi32>,
      %get3A_36 = arith.index_cast %add3A_29 : i32 to index
      %get3A_37 = arith.constant 16 : index
      %get3A_38 = tpu.vector_load %arg6[%get3A_36, %get3A_37] {strides = array<i32>} : memref<80x128xi32, #tpu.memory_space<vmem>>, vector<1x16xi32>,
      %get3A_39 = vector.shape_cast %get3A_38 : vector<1x16xi32> to vector<16xi32>
      %swap3A_40 = arith.constant 16 : index
      %swap3A_41 = tpu.vector_load %arg7[%swap3A_40] {strides = array<i32>} : memref<128xi32, #tpu.memory_space<vmem>>, vector<16xi32>,
      %swap3A_42 = vector.shape_cast %swap3A_41 : vector<16xi32> to vector<16xi32>
      %swap3A_43 = vector.shape_cast %get3A_39 : vector<16xi32> to vector<16xi32>
      tpu.vector_store %arg7[%swap3A_40], %swap3A_43 {strides = array<i32>} : memref<128xi32, #tpu.memory_space<vmem>>, vector<16xi32>,
      %get3A_44 = arith.index_cast %add3A_29 : i32 to index
      %get3A_45 = arith.constant 32 : index
      %get3A_46 = tpu.vector_load %arg6[%get3A_44, %get3A_45] {strides = array<i32>} : memref<80x128xi32, #tpu.memory_space<vmem>>, vector<1x16xi32>,
      %get3A_47 = vector.shape_cast %get3A_46 : vector<1x16xi32> to vector<16xi32>
      %swap3A_48 = arith.constant 32 : index
      %swap3A_49 = tpu.vector_load %arg7[%swap3A_48] {strides = array<i32>} : memref<128xi32, #tpu.memory_space<vmem>>, vector<16xi32>,
      %swap3A_50 = vector.shape_cast %swap3A_49 : vector<16xi32> to vector<16xi32>
      %swap3A_51 = vector.shape_cast %get3A_47 : vector<16xi32> to vector<16xi32>
      tpu.vector_store %arg7[%swap3A_48], %swap3A_51 {strides = array<i32>} : memref<128xi32, #tpu.memory_space<vmem>>, vector<16xi32>,
      %get3A_52 = arith.index_cast %add3A_29 : i32 to index
      %get3A_53 = arith.constant 48 : index
      %get3A_54 = tpu.vector_load %arg6[%get3A_52, %get3A_53] {strides = array<i32>} : memref<80x128xi32, #tpu.memory_space<vmem>>, vector<1x16xi32>,
      %get3A_55 = vector.shape_cast %get3A_54 : vector<1x16xi32> to vector<16xi32>
      %swap3A_56 = arith.constant 48 : index
      %swap3A_57 = tpu.vector_load %arg7[%swap3A_56] {strides = array<i32>} : memref<128xi32, #tpu.memory_space<vmem>>, vector<16xi32>,
      %swap3A_58 = vector.shape_cast %swap3A_57 : vector<16xi32> to vector<16xi32>
      %swap3A_59 = vector.shape_cast %get3A_55 : vector<16xi32> to vector<16xi32>
      tpu.vector_store %arg7[%swap3A_56], %swap3A_59 {strides = array<i32>} : memref<128xi32, #tpu.memory_space<vmem>>, vector<16xi32>,
      %get3A_60 = arith.index_cast %add3A_29 : i32 to index
      %get3A_61 = arith.constant 64 : index
      %get3A_62 = tpu.vector_load %arg6[%get3A_60, %get3A_61] {strides = array<i32>} : memref<80x128xi32, #tpu.memory_space<vmem>>, vector<1x16xi32>,
      %get3A_63 = vector.shape_cast %get3A_62 : vector<1x16xi32> to vector<16xi32>
      %swap3A_64 = arith.constant 64 : index
      %swap3A_65 = tpu.vector_load %arg7[%swap3A_64] {strides = array<i32>} : memref<128xi32, #tpu.memory_space<vmem>>, vector<16xi32>,
      %swap3A_66 = vector.shape_cast %swap3A_65 : vector<16xi32> to vector<16xi32>
      %swap3A_67 = vector.shape_cast %get3A_63 : vector<16xi32> to vector<16xi32>
      tpu.vector_store %arg7[%swap3A_64], %swap3A_67 {strides = array<i32>} : memref<128xi32, #tpu.memory_space<vmem>>, vector<16xi32>,
      %get3A_68 = arith.index_cast %add3A_29 : i32 to index
      %get3A_69 = arith.constant 80 : index
      %get3A_70 = tpu.vector_load %arg6[%get3A_68, %get3A_69] {strides = array<i32>} : memref<80x128xi32, #tpu.memory_space<vmem>>, vector<1x16xi32>,
      %get3A_71 = vector.shape_cast %get3A_70 : vector<1x16xi32> to vector<16xi32>
      %swap3A_72 = arith.constant 80 : index
      %swap3A_73 = tpu.vector_load %arg7[%swap3A_72] {strides = array<i32>} : memref<128xi32, #tpu.memory_space<vmem>>, vector<16xi32>,
      %swap3A_74 = vector.shape_cast %swap3A_73 : vector<16xi32> to vector<16xi32>
      %swap3A_75 = vector.shape_cast %get3A_71 : vector<16xi32> to vector<16xi32>
      tpu.vector_store %arg7[%swap3A_72], %swap3A_75 {strides = array<i32>} : memref<128xi32, #tpu.memory_space<vmem>>, vector<16xi32>,
      %get3A_76 = arith.index_cast %add3A_29 : i32 to index
      %get3A_77 = arith.constant 96 : index
      %get3A_78 = tpu.vector_load %arg6[%get3A_76, %get3A_77] {strides = array<i32>} : memref<80x128xi32, #tpu.memory_space<vmem>>, vector<1x16xi32>,
      %get3A_79 = vector.shape_cast %get3A_78 : vector<1x16xi32> to vector<16xi32>
      %swap3A_80 = arith.constant 96 : index
      %swap3A_81 = tpu.vector_load %arg7[%swap3A_80] {strides = array<i32>} : memref<128xi32, #tpu.memory_space<vmem>>, vector<16xi32>,
      %swap3A_82 = vector.shape_cast %swap3A_81 : vector<16xi32> to vector<16xi32>
      %swap3A_83 = vector.shape_cast %get3A_79 : vector<16xi32> to vector<16xi32>
      tpu.vector_store %arg7[%swap3A_80], %swap3A_83 {strides = array<i32>} : memref<128xi32, #tpu.memory_space<vmem>>, vector<16xi32>,
      %get3A_84 = arith.index_cast %add3A_29 : i32 to index
      %get3A_85 = arith.constant 112 : index
      %get3A_86 = tpu.vector_load %arg6[%get3A_84, %get3A_85] {strides = array<i32>} : memref<80x128xi32, #tpu.memory_space<vmem>>, vector<1x16xi32>,
      %get3A_87 = vector.shape_cast %get3A_86 : vector<1x16xi32> to vector<16xi32>
      %swap3A_88 = arith.constant 112 : index
      %swap3A_89 = tpu.vector_load %arg7[%swap3A_88] {strides = array<i32>} : memref<128xi32, #tpu.memory_space<vmem>>, vector<16xi32>,
      %swap3A_90 = vector.shape_cast %swap3A_89 : vector<16xi32> to vector<16xi32>
      %swap3A_91 = vector.shape_cast %get3A_87 : vector<16xi32> to vector<16xi32>
      tpu.vector_store %arg7[%swap3A_88], %swap3A_91 {strides = array<i32>} : memref<128xi32, #tpu.memory_space<vmem>>, vector<16xi32>,
      %dma_start3A = arith.constant 0 : i32
      %dma_start3A_92 = arith.constant 0 : i32
      %dma_start3A_93 = tpu.memref_slice %arg5[%dma_start3A, %dma_start3A_92] : memref<10240x16xf32, #tpu.memory_space<vmem_shared>> -> memref<10240x16xf32, #tpu.memory_space<vmem_shared>>
      tpu.enqueue_indirect_dma source(%arg15 : memref<128x16xf32, #tpu.memory_space<vmem>>) target(%dma_start3A_93 : memref<10240x16xf32, #tpu.memory_space<vmem_shared>>) offsets(%arg7 : memref<128xi32, #tpu.memory_space<vmem>>) semaphore(%arg16 : memref<!tpu.dma_semaphore, #tpu.memory_space<semaphore_mem>>) {add = true}
      %mul3A_94 = arith.constant 8 : i32
      %mul3A_95 = arith.muli %add3A_25, %mul3A_94 : i32
      %add3A_96 = arith.constant 1 : i32
      %add3A_97 = arith.addi %mul3A_95, %add3A_96 : i32
      %get3A_98 = arith.index_cast %add3A_97 : i32 to index
      %get3A_99 = arith.constant 0 : index
      %get3A_100 = tpu.vector_load %arg6[%get3A_98, %get3A_99] {strides = array<i32>} : memref<80x128xi32, #tpu.memory_space<vmem>>, vector<1x16xi32>,
      %get3A_101 = vector.shape_cast %get3A_100 : vector<1x16xi32> to vector<16xi32>
      %swap3A_102 = arith.constant 0 : index
      %swap3A_103 = tpu.vector_load %arg8[%swap3A_102] {strides = array<i32>} : memref<128xi32, #tpu.memory_space<vmem>>, vector<16xi32>,
      %swap3A_104 = vector.shape_cast %swap3A_103 : vector<16xi32> to vector<16xi32>
      %swap3A_105 = vector.shape_cast %get3A_101 : vector<16xi32> to vector<16xi32>
      tpu.vector_store %arg8[%swap3A_102], %swap3A_105 {strides = array<i32>} : memref<128xi32, #tpu.memory_space<vmem>>, vector<16xi32>,
      %get3A_106 = arith.index_cast %add3A_97 : i32 to index
      %get3A_107 = arith.constant 16 : index
      %get3A_108 = tpu.vector_load %arg6[%get3A_106, %get3A_107] {strides = array<i32>} : memref<80x128xi32, #tpu.memory_space<vmem>>, vector<1x16xi32>,
      %get3A_109 = vector.shape_cast %get3A_108 : vector<1x16xi32> to vector<16xi32>
      %swap3A_110 = arith.constant 16 : index
      %swap3A_111 = tpu.vector_load %arg8[%swap3A_110] {strides = array<i32>} : memref<128xi32, #tpu.memory_space<vmem>>, vector<16xi32>,
      %swap3A_112 = vector.shape_cast %swap3A_111 : vector<16xi32> to vector<16xi32>
      %swap3A_113 = vector.shape_cast %get3A_109 : vector<16xi32> to vector<16xi32>
      tpu.vector_store %arg8[%swap3A_110], %swap3A_113 {strides = array<i32>} : memref<128xi32, #tpu.memory_space<vmem>>, vector<16xi32>,
      %get3A_114 = arith.index_cast %add3A_97 : i32 to index
      %get3A_115 = arith.constant 32 : index
      %get3A_116 = tpu.vector_load %arg6[%get3A_114, %get3A_115] {strides = array<i32>} : memref<80x128xi32, #tpu.memory_space<vmem>>, vector<1x16xi32>,
      %get3A_117 = vector.shape_cast %get3A_116 : vector<1x16xi32> to vector<16xi32>
      %swap3A_118 = arith.constant 32 : index
      %swap3A_119 = tpu.vector_load %arg8[%swap3A_118] {strides = array<i32>} : memref<128xi32, #tpu.memory_space<vmem>>, vector<16xi32>,
      %swap3A_120 = vector.shape_cast %swap3A_119 : vector<16xi32> to vector<16xi32>
      %swap3A_121 = vector.shape_cast %get3A_117 : vector<16xi32> to vector<16xi32>
      tpu.vector_store %arg8[%swap3A_118], %swap3A_121 {strides = array<i32>} : memref<128xi32, #tpu.memory_space<vmem>>, vector<16xi32>,
      %get3A_122 = arith.index_cast %add3A_97 : i32 to index
      %get3A_123 = arith.constant 48 : index
      %get3A_124 = tpu.vector_load %arg6[%get3A_122, %get3A_123] {strides = array<i32>} : memref<80x128xi32, #tpu.memory_space<vmem>>, vector<1x16xi32>,
      %get3A_125 = vector.shape_cast %get3A_124 : vector<1x16xi32> to vector<16xi32>
      %swap3A_126 = arith.constant 48 : index
      %swap3A_127 = tpu.vector_load %arg8[%swap3A_126] {strides = array<i32>} : memref<128xi32, #tpu.memory_space<vmem>>, vector<16xi32>,
      %swap3A_128 = vector.shape_cast %swap3A_127 : vector<16xi32> to vector<16xi32>
      %swap3A_129 = vector.shape_cast %get3A_125 : vector<16xi32> to vector<16xi32>
      tpu.vector_store %arg8[%swap3A_126], %swap3A_129 {strides = array<i32>} : memref<128xi32, #tpu.memory_space<vmem>>, vector<16xi32>,
      %get3A_130 = arith.index_cast %add3A_97 : i32 to index
      %get3A_131 = arith.constant 64 : index
      %get3A_132 = tpu.vector_load %arg6[%get3A_130, %get3A_131] {strides = array<i32>} : memref<80x128xi32, #tpu.memory_space<vmem>>, vector<1x16xi32>,
      %get3A_133 = vector.shape_cast %get3A_132 : vector<1x16xi32> to vector<16xi32>
      %swap3A_134 = arith.constant 64 : index
      %swap3A_135 = tpu.vector_load %arg8[%swap3A_134] {strides = array<i32>} : memref<128xi32, #tpu.memory_space<vmem>>, vector<16xi32>,
      %swap3A_136 = vector.shape_cast %swap3A_135 : vector<16xi32> to vector<16xi32>
      %swap3A_137 = vector.shape_cast %get3A_133 : vector<16xi32> to vector<16xi32>
      tpu.vector_store %arg8[%swap3A_134], %swap3A_137 {strides = array<i32>} : memref<128xi32, #tpu.memory_space<vmem>>, vector<16xi32>,
      %get3A_138 = arith.index_cast %add3A_97 : i32 to index
      %get3A_139 = arith.constant 80 : index
      %get3A_140 = tpu.vector_load %arg6[%get3A_138, %get3A_139] {strides = array<i32>} : memref<80x128xi32, #tpu.memory_space<vmem>>, vector<1x16xi32>,
      %get3A_141 = vector.shape_cast %get3A_140 : vector<1x16xi32> to vector<16xi32>
      %swap3A_142 = arith.constant 80 : index
      %swap3A_143 = tpu.vector_load %arg8[%swap3A_142] {strides = array<i32>} : memref<128xi32, #tpu.memory_space<vmem>>, vector<16xi32>,
      %swap3A_144 = vector.shape_cast %swap3A_143 : vector<16xi32> to vector<16xi32>
      %swap3A_145 = vector.shape_cast %get3A_141 : vector<16xi32> to vector<16xi32>
      tpu.vector_store %arg8[%swap3A_142], %swap3A_145 {strides = array<i32>} : memref<128xi32, #tpu.memory_space<vmem>>, vector<16xi32>,
      %get3A_146 = arith.index_cast %add3A_97 : i32 to index
      %get3A_147 = arith.constant 96 : index
      %get3A_148 = tpu.vector_load %arg6[%get3A_146, %get3A_147] {strides = array<i32>} : memref<80x128xi32, #tpu.memory_space<vmem>>, vector<1x16xi32>,
      %get3A_149 = vector.shape_cast %get3A_148 : vector<1x16xi32> to vector<16xi32>
      %swap3A_150 = arith.constant 96 : index
      %swap3A_151 = tpu.vector_load %arg8[%swap3A_150] {strides = array<i32>} : memref<128xi32, #tpu.memory_space<vmem>>, vector<16xi32>,
      %swap3A_152 = vector.shape_cast %swap3A_151 : vector<16xi32> to vector<16xi32>
      %swap3A_153 = vector.shape_cast %get3A_149 : vector<16xi32> to vector<16xi32>
      tpu.vector_store %arg8[%swap3A_150], %swap3A_153 {strides = array<i32>} : memref<128xi32, #tpu.memory_space<vmem>>, vector<16xi32>,
      %get3A_154 = arith.index_cast %add3A_97 : i32 to index
      %get3A_155 = arith.constant 112 : index
      %get3A_156 = tpu.vector_load %arg6[%get3A_154, %get3A_155] {strides = array<i32>} : memref<80x128xi32, #tpu.memory_space<vmem>>, vector<1x16xi32>,
      %get3A_157 = vector.shape_cast %get3A_156 : vector<1x16xi32> to vector<16xi32>
      %swap3A_158 = arith.constant 112 : index
      %swap3A_159 = tpu.vector_load %arg8[%swap3A_158] {strides = array<i32>} : memref<128xi32, #tpu.memory_space<vmem>>, vector<16xi32>,
      %swap3A_160 = vector.shape_cast %swap3A_159 : vector<16xi32> to vector<16xi32>
      %swap3A_161 = vector.shape_cast %get3A_157 : vector<16xi32> to vector<16xi32>
      tpu.vector_store %arg8[%swap3A_158], %swap3A_161 {strides = array<i32>} : memref<128xi32, #tpu.memory_space<vmem>>, vector<16xi32>,
      %dma_start3A_162 = arith.constant 0 : i32
      %dma_start3A_163 = arith.constant 0 : i32
      %dma_start3A_164 = tpu.memref_slice %arg5[%dma_start3A_162, %dma_start3A_163] : memref<10240x16xf32, #tpu.memory_space<vmem_shared>> -> memref<10240x16xf32, #tpu.memory_space<vmem_shared>>
      tpu.enqueue_indirect_dma source(%arg15 : memref<128x16xf32, #tpu.memory_space<vmem>>) target(%dma_start3A_164 : memref<10240x16xf32, #tpu.memory_space<vmem_shared>>) offsets(%arg8 : memref<128xi32, #tpu.memory_space<vmem>>) semaphore(%arg17 : memref<!tpu.dma_semaphore, #tpu.memory_space<semaphore_mem>>) {add = true}
      %mul3A_165 = arith.constant 8 : i32
      %mul3A_166 = arith.muli %add3A_25, %mul3A_165 : i32
      %add3A_167 = arith.constant 2 : i32
      %add3A_168 = arith.addi %mul3A_166, %add3A_167 : i32
      %get3A_169 = arith.index_cast %add3A_168 : i32 to index
      %get3A_170 = arith.constant 0 : index
      %get3A_171 = tpu.vector_load %arg6[%get3A_169, %get3A_170] {strides = array<i32>} : memref<80x128xi32, #tpu.memory_space<vmem>>, vector<1x16xi32>,
      %get3A_172 = vector.shape_cast %get3A_171 : vector<1x16xi32> to vector<16xi32>
      %swap3A_173 = arith.constant 0 : index
      %swap3A_174 = tpu.vector_load %arg9[%swap3A_173] {strides = array<i32>} : memref<128xi32, #tpu.memory_space<vmem>>, vector<16xi32>,
      %swap3A_175 = vector.shape_cast %swap3A_174 : vector<16xi32> to vector<16xi32>
      %swap3A_176 = vector.shape_cast %get3A_172 : vector<16xi32> to vector<16xi32>
      tpu.vector_store %arg9[%swap3A_173], %swap3A_176 {strides = array<i32>} : memref<128xi32, #tpu.memory_space<vmem>>, vector<16xi32>,
      %get3A_177 = arith.index_cast %add3A_168 : i32 to index
      %get3A_178 = arith.constant 16 : index
      %get3A_179 = tpu.vector_load %arg6[%get3A_177, %get3A_178] {strides = array<i32>} : memref<80x128xi32, #tpu.memory_space<vmem>>, vector<1x16xi32>,
      %get3A_180 = vector.shape_cast %get3A_179 : vector<1x16xi32> to vector<16xi32>
      %swap3A_181 = arith.constant 16 : index
      %swap3A_182 = tpu.vector_load %arg9[%swap3A_181] {strides = array<i32>} : memref<128xi32, #tpu.memory_space<vmem>>, vector<16xi32>,
      %swap3A_183 = vector.shape_cast %swap3A_182 : vector<16xi32> to vector<16xi32>
      %swap3A_184 = vector.shape_cast %get3A_180 : vector<16xi32> to vector<16xi32>
      tpu.vector_store %arg9[%swap3A_181], %swap3A_184 {strides = array<i32>} : memref<128xi32, #tpu.memory_space<vmem>>, vector<16xi32>,
      %get3A_185 = arith.index_cast %add3A_168 : i32 to index
      %get3A_186 = arith.constant 32 : index
      %get3A_187 = tpu.vector_load %arg6[%get3A_185, %get3A_186] {strides = array<i32>} : memref<80x128xi32, #tpu.memory_space<vmem>>, vector<1x16xi32>,
      %get3A_188 = vector.shape_cast %get3A_187 : vector<1x16xi32> to vector<16xi32>
      %swap3A_189 = arith.constant 32 : index
      %swap3A_190 = tpu.vector_load %arg9[%swap3A_189] {strides = array<i32>} : memref<128xi32, #tpu.memory_space<vmem>>, vector<16xi32>,
      %swap3A_191 = vector.shape_cast %swap3A_190 : vector<16xi32> to vector<16xi32>
      %swap3A_192 = vector.shape_cast %get3A_188 : vector<16xi32> to vector<16xi32>
      tpu.vector_store %arg9[%swap3A_189], %swap3A_192 {strides = array<i32>} : memref<128xi32, #tpu.memory_space<vmem>>, vector<16xi32>,
      %get3A_193 = arith.index_cast %add3A_168 : i32 to index
      %get3A_194 = arith.constant 48 : index
      %get3A_195 = tpu.vector_load %arg6[%get3A_193, %get3A_194] {strides = array<i32>} : memref<80x128xi32, #tpu.memory_space<vmem>>, vector<1x16xi32>,
      %get3A_196 = vector.shape_cast %get3A_195 : vector<1x16xi32> to vector<16xi32>
      %swap3A_197 = arith.constant 48 : index
      %swap3A_198 = tpu.vector_load %arg9[%swap3A_197] {strides = array<i32>} : memref<128xi32, #tpu.memory_space<vmem>>, vector<16xi32>,
      %swap3A_199 = vector.shape_cast %swap3A_198 : vector<16xi32> to vector<16xi32>
      %swap3A_200 = vector.shape_cast %get3A_196 : vector<16xi32> to vector<16xi32>
      tpu.vector_store %arg9[%swap3A_197], %swap3A_200 {strides = array<i32>} : memref<128xi32, #tpu.memory_space<vmem>>, vector<16xi32>,
      %get3A_201 = arith.index_cast %add3A_168 : i32 to index
      %get3A_202 = arith.constant 64 : index
      %get3A_203 = tpu.vector_load %arg6[%get3A_201, %get3A_202] {strides = array<i32>} : memref<80x128xi32, #tpu.memory_space<vmem>>, vector<1x16xi32>,
      %get3A_204 = vector.shape_cast %get3A_203 : vector<1x16xi32> to vector<16xi32>
      %swap3A_205 = arith.constant 64 : index
      %swap3A_206 = tpu.vector_load %arg9[%swap3A_205] {strides = array<i32>} : memref<128xi32, #tpu.memory_space<vmem>>, vector<16xi32>,
      %swap3A_207 = vector.shape_cast %swap3A_206 : vector<16xi32> to vector<16xi32>
      %swap3A_208 = vector.shape_cast %get3A_204 : vector<16xi32> to vector<16xi32>
      tpu.vector_store %arg9[%swap3A_205], %swap3A_208 {strides = array<i32>} : memref<128xi32, #tpu.memory_space<vmem>>, vector<16xi32>,
      %get3A_209 = arith.index_cast %add3A_168 : i32 to index
      %get3A_210 = arith.constant 80 : index
      %get3A_211 = tpu.vector_load %arg6[%get3A_209, %get3A_210] {strides = array<i32>} : memref<80x128xi32, #tpu.memory_space<vmem>>, vector<1x16xi32>,
      %get3A_212 = vector.shape_cast %get3A_211 : vector<1x16xi32> to vector<16xi32>
      %swap3A_213 = arith.constant 80 : index
      %swap3A_214 = tpu.vector_load %arg9[%swap3A_213] {strides = array<i32>} : memref<128xi32, #tpu.memory_space<vmem>>, vector<16xi32>,
      %swap3A_215 = vector.shape_cast %swap3A_214 : vector<16xi32> to vector<16xi32>
      %swap3A_216 = vector.shape_cast %get3A_212 : vector<16xi32> to vector<16xi32>
      tpu.vector_store %arg9[%swap3A_213], %swap3A_216 {strides = array<i32>} : memref<128xi32, #tpu.memory_space<vmem>>, vector<16xi32>,
      %get3A_217 = arith.index_cast %add3A_168 : i32 to index
      %get3A_218 = arith.constant 96 : index
      %get3A_219 = tpu.vector_load %arg6[%get3A_217, %get3A_218] {strides = array<i32>} : memref<80x128xi32, #tpu.memory_space<vmem>>, vector<1x16xi32>,
      %get3A_220 = vector.shape_cast %get3A_219 : vector<1x16xi32> to vector<16xi32>
      %swap3A_221 = arith.constant 96 : index
      %swap3A_222 = tpu.vector_load %arg9[%swap3A_221] {strides = array<i32>} : memref<128xi32, #tpu.memory_space<vmem>>, vector<16xi32>,
      %swap3A_223 = vector.shape_cast %swap3A_222 : vector<16xi32> to vector<16xi32>
      %swap3A_224 = vector.shape_cast %get3A_220 : vector<16xi32> to vector<16xi32>
      tpu.vector_store %arg9[%swap3A_221], %swap3A_224 {strides = array<i32>} : memref<128xi32, #tpu.memory_space<vmem>>, vector<16xi32>,
      %get3A_225 = arith.index_cast %add3A_168 : i32 to index
      %get3A_226 = arith.constant 112 : index
      %get3A_227 = tpu.vector_load %arg6[%get3A_225, %get3A_226] {strides = array<i32>} : memref<80x128xi32, #tpu.memory_space<vmem>>, vector<1x16xi32>,
      %get3A_228 = vector.shape_cast %get3A_227 : vector<1x16xi32> to vector<16xi32>
      %swap3A_229 = arith.constant 112 : index
      %swap3A_230 = tpu.vector_load %arg9[%swap3A_229] {strides = array<i32>} : memref<128xi32, #tpu.memory_space<vmem>>, vector<16xi32>,
      %swap3A_231 = vector.shape_cast %swap3A_230 : vector<16xi32> to vector<16xi32>
      %swap3A_232 = vector.shape_cast %get3A_228 : vector<16xi32> to vector<16xi32>
      tpu.vector_store %arg9[%swap3A_229], %swap3A_232 {strides = array<i32>} : memref<128xi32, #tpu.memory_space<vmem>>, vector<16xi32>,
      %dma_start3A_233 = arith.constant 0 : i32
      %dma_start3A_234 = arith.constant 0 : i32
      %dma_start3A_235 = tpu.memref_slice %arg5[%dma_start3A_233, %dma_start3A_234] : memref<10240x16xf32, #tpu.memory_space<vmem_shared>> -> memref<10240x16xf32, #tpu.memory_space<vmem_shared>>
      tpu.enqueue_indirect_dma source(%arg15 : memref<128x16xf32, #tpu.memory_space<vmem>>) target(%dma_start3A_235 : memref<10240x16xf32, #tpu.memory_space<vmem_shared>>) offsets(%arg9 : memref<128xi32, #tpu.memory_space<vmem>>) semaphore(%arg18 : memref<!tpu.dma_semaphore, #tpu.memory_space<semaphore_mem>>) {add = true}
      %mul3A_236 = arith.constant 8 : i32
      %mul3A_237 = arith.muli %add3A_25, %mul3A_236 : i32
      %add3A_238 = arith.constant 3 : i32
      %add3A_239 = arith.addi %mul3A_237, %add3A_238 : i32
      %get3A_240 = arith.index_cast %add3A_239 : i32 to index
      %get3A_241 = arith.constant 0 : index
      %get3A_242 = tpu.vector_load %arg6[%get3A_240, %get3A_241] {strides = array<i32>} : memref<80x128xi32, #tpu.memory_space<vmem>>, vector<1x16xi32>,
      %get3A_243 = vector.shape_cast %get3A_242 : vector<1x16xi32> to vector<16xi32>
      %swap3A_244 = arith.constant 0 : index
      %swap3A_245 = tpu.vector_load %arg10[%swap3A_244] {strides = array<i32>} : memref<128xi32, #tpu.memory_space<vmem>>, vector<16xi32>,
      %swap3A_246 = vector.shape_cast %swap3A_245 : vector<16xi32> to vector<16xi32>
      %swap3A_247 = vector.shape_cast %get3A_243 : vector<16xi32> to vector<16xi32>
      tpu.vector_store %arg10[%swap3A_244], %swap3A_247 {strides = array<i32>} : memref<128xi32, #tpu.memory_space<vmem>>, vector<16xi32>,
      %get3A_248 = arith.index_cast %add3A_239 : i32 to index
      %get3A_249 = arith.constant 16 : index
      %get3A_250 = tpu.vector_load %arg6[%get3A_248, %get3A_249] {strides = array<i32>} : memref<80x128xi32, #tpu.memory_space<vmem>>, vector<1x16xi32>,
      %get3A_251 = vector.shape_cast %get3A_250 : vector<1x16xi32> to vector<16xi32>
      %swap3A_252 = arith.constant 16 : index
      %swap3A_253 = tpu.vector_load %arg10[%swap3A_252] {strides = array<i32>} : memref<128xi32, #tpu.memory_space<vmem>>, vector<16xi32>,
      %swap3A_254 = vector.shape_cast %swap3A_253 : vector<16xi32> to vector<16xi32>
      %swap3A_255 = vector.shape_cast %get3A_251 : vector<16xi32> to vector<16xi32>
      tpu.vector_store %arg10[%swap3A_252], %swap3A_255 {strides = array<i32>} : memref<128xi32, #tpu.memory_space<vmem>>, vector<16xi32>,
      %get3A_256 = arith.index_cast %add3A_239 : i32 to index
      %get3A_257 = arith.constant 32 : index
      %get3A_258 = tpu.vector_load %arg6[%get3A_256, %get3A_257] {strides = array<i32>} : memref<80x128xi32, #tpu.memory_space<vmem>>, vector<1x16xi32>,
      %get3A_259 = vector.shape_cast %get3A_258 : vector<1x16xi32> to vector<16xi32>
      %swap3A_260 = arith.constant 32 : index
      %swap3A_261 = tpu.vector_load %arg10[%swap3A_260] {strides = array<i32>} : memref<128xi32, #tpu.memory_space<vmem>>, vector<16xi32>,
      %swap3A_262 = vector.shape_cast %swap3A_261 : vector<16xi32> to vector<16xi32>
      %swap3A_263 = vector.shape_cast %get3A_259 : vector<16xi32> to vector<16xi32>
      tpu.vector_store %arg10[%swap3A_260], %swap3A_263 {strides = array<i32>} : memref<128xi32, #tpu.memory_space<vmem>>, vector<16xi32>,
      %get3A_264 = arith.index_cast %add3A_239 : i32 to index
      %get3A_265 = arith.constant 48 : index
      %get3A_266 = tpu.vector_load %arg6[%get3A_264, %get3A_265] {strides = array<i32>} : memref<80x128xi32, #tpu.memory_space<vmem>>, vector<1x16xi32>,
      %get3A_267 = vector.shape_cast %get3A_266 : vector<1x16xi32> to vector<16xi32>
      %swap3A_268 = arith.constant 48 : index
      %swap3A_269 = tpu.vector_load %arg10[%swap3A_268] {strides = array<i32>} : memref<128xi32, #tpu.memory_space<vmem>>, vector<16xi32>,
      %swap3A_270 = vector.shape_cast %swap3A_269 : vector<16xi32> to vector<16xi32>
      %swap3A_271 = vector.shape_cast %get3A_267 : vector<16xi32> to vector<16xi32>
      tpu.vector_store %arg10[%swap3A_268], %swap3A_271 {strides = array<i32>} : memref<128xi32, #tpu.memory_space<vmem>>, vector<16xi32>,
      %get3A_272 = arith.index_cast %add3A_239 : i32 to index
      %get3A_273 = arith.constant 64 : index
      %get3A_274 = tpu.vector_load %arg6[%get3A_272, %get3A_273] {strides = array<i32>} : memref<80x128xi32, #tpu.memory_space<vmem>>, vector<1x16xi32>,
      %get3A_275 = vector.shape_cast %get3A_274 : vector<1x16xi32> to vector<16xi32>
      %swap3A_276 = arith.constant 64 : index
      %swap3A_277 = tpu.vector_load %arg10[%swap3A_276] {strides = array<i32>} : memref<128xi32, #tpu.memory_space<vmem>>, vector<16xi32>,
      %swap3A_278 = vector.shape_cast %swap3A_277 : vector<16xi32> to vector<16xi32>
      %swap3A_279 = vector.shape_cast %get3A_275 : vector<16xi32> to vector<16xi32>
      tpu.vector_store %arg10[%swap3A_276], %swap3A_279 {strides = array<i32>} : memref<128xi32, #tpu.memory_space<vmem>>, vector<16xi32>,
      %get3A_280 = arith.index_cast %add3A_239 : i32 to index
      %get3A_281 = arith.constant 80 : index
      %get3A_282 = tpu.vector_load %arg6[%get3A_280, %get3A_281] {strides = array<i32>} : memref<80x128xi32, #tpu.memory_space<vmem>>, vector<1x16xi32>,
      %get3A_283 = vector.shape_cast %get3A_282 : vector<1x16xi32> to vector<16xi32>
      %swap3A_284 = arith.constant 80 : index
      %swap3A_285 = tpu.vector_load %arg10[%swap3A_284] {strides = array<i32>} : memref<128xi32, #tpu.memory_space<vmem>>, vector<16xi32>,
      %swap3A_286 = vector.shape_cast %swap3A_285 : vector<16xi32> to vector<16xi32>
      %swap3A_287 = vector.shape_cast %get3A_283 : vector<16xi32> to vector<16xi32>
      tpu.vector_store %arg10[%swap3A_284], %swap3A_287 {strides = array<i32>} : memref<128xi32, #tpu.memory_space<vmem>>, vector<16xi32>,
      %get3A_288 = arith.index_cast %add3A_239 : i32 to index
      %get3A_289 = arith.constant 96 : index
      %get3A_290 = tpu.vector_load %arg6[%get3A_288, %get3A_289] {strides = array<i32>} : memref<80x128xi32, #tpu.memory_space<vmem>>, vector<1x16xi32>,
      %get3A_291 = vector.shape_cast %get3A_290 : vector<1x16xi32> to vector<16xi32>
      %swap3A_292 = arith.constant 96 : index
      %swap3A_293 = tpu.vector_load %arg10[%swap3A_292] {strides = array<i32>} : memref<128xi32, #tpu.memory_space<vmem>>, vector<16xi32>,
      %swap3A_294 = vector.shape_cast %swap3A_293 : vector<16xi32> to vector<16xi32>
      %swap3A_295 = vector.shape_cast %get3A_291 : vector<16xi32> to vector<16xi32>
      tpu.vector_store %arg10[%swap3A_292], %swap3A_295 {strides = array<i32>} : memref<128xi32, #tpu.memory_space<vmem>>, vector<16xi32>,
      %get3A_296 = arith.index_cast %add3A_239 : i32 to index
      %get3A_297 = arith.constant 112 : index
      %get3A_298 = tpu.vector_load %arg6[%get3A_296, %get3A_297] {strides = array<i32>} : memref<80x128xi32, #tpu.memory_space<vmem>>, vector<1x16xi32>,
      %get3A_299 = vector.shape_cast %get3A_298 : vector<1x16xi32> to vector<16xi32>
      %swap3A_300 = arith.constant 112 : index
      %swap3A_301 = tpu.vector_load %arg10[%swap3A_300] {strides = array<i32>} : memref<128xi32, #tpu.memory_space<vmem>>, vector<16xi32>,
      %swap3A_302 = vector.shape_cast %swap3A_301 : vector<16xi32> to vector<16xi32>
      %swap3A_303 = vector.shape_cast %get3A_299 : vector<16xi32> to vector<16xi32>
      tpu.vector_store %arg10[%swap3A_300], %swap3A_303 {strides = array<i32>} : memref<128xi32, #tpu.memory_space<vmem>>, vector<16xi32>,
      %dma_start3A_304 = arith.constant 0 : i32
      %dma_start3A_305 = arith.constant 0 : i32
      %dma_start3A_306 = tpu.memref_slice %arg5[%dma_start3A_304, %dma_start3A_305] : memref<10240x16xf32, #tpu.memory_space<vmem_shared>> -> memref<10240x16xf32, #tpu.memory_space<vmem_shared>>
      tpu.enqueue_indirect_dma source(%arg15 : memref<128x16xf32, #tpu.memory_space<vmem>>) target(%dma_start3A_306 : memref<10240x16xf32, #tpu.memory_space<vmem_shared>>) offsets(%arg10 : memref<128xi32, #tpu.memory_space<vmem>>) semaphore(%arg19 : memref<!tpu.dma_semaphore, #tpu.memory_space<semaphore_mem>>) {add = true}
      %mul3A_307 = arith.constant 8 : i32
      %mul3A_308 = arith.muli %add3A_25, %mul3A_307 : i32
      %add3A_309 = arith.constant 4 : i32
      %add3A_310 = arith.addi %mul3A_308, %add3A_309 : i32
      %get3A_311 = arith.index_cast %add3A_310 : i32 to index
      %get3A_312 = arith.constant 0 : index
      %get3A_313 = tpu.vector_load %arg6[%get3A_311, %get3A_312] {strides = array<i32>} : memref<80x128xi32, #tpu.memory_space<vmem>>, vector<1x16xi32>,
      %get3A_314 = vector.shape_cast %get3A_313 : vector<1x16xi32> to vector<16xi32>
      %swap3A_315 = arith.constant 0 : index
      %swap3A_316 = tpu.vector_load %arg11[%swap3A_315] {strides = array<i32>} : memref<128xi32, #tpu.memory_space<vmem>>, vector<16xi32>,
      %swap3A_317 = vector.shape_cast %swap3A_316 : vector<16xi32> to vector<16xi32>
      %swap3A_318 = vector.shape_cast %get3A_314 : vector<16xi32> to vector<16xi32>
      tpu.vector_store %arg11[%swap3A_315], %swap3A_318 {strides = array<i32>} : memref<128xi32, #tpu.memory_space<vmem>>, vector<16xi32>,
      %get3A_319 = arith.index_cast %add3A_310 : i32 to index
      %get3A_320 = arith.constant 16 : index
      %get3A_321 = tpu.vector_load %arg6[%get3A_319, %get3A_320] {strides = array<i32>} : memref<80x128xi32, #tpu.memory_space<vmem>>, vector<1x16xi32>,
      %get3A_322 = vector.shape_cast %get3A_321 : vector<1x16xi32> to vector<16xi32>
      %swap3A_323 = arith.constant 16 : index
      %swap3A_324 = tpu.vector_load %arg11[%swap3A_323] {strides = array<i32>} : memref<128xi32, #tpu.memory_space<vmem>>, vector<16xi32>,
      %swap3A_325 = vector.shape_cast %swap3A_324 : vector<16xi32> to vector<16xi32>
      %swap3A_326 = vector.shape_cast %get3A_322 : vector<16xi32> to vector<16xi32>
      tpu.vector_store %arg11[%swap3A_323], %swap3A_326 {strides = array<i32>} : memref<128xi32, #tpu.memory_space<vmem>>, vector<16xi32>,
      %get3A_327 = arith.index_cast %add3A_310 : i32 to index
      %get3A_328 = arith.constant 32 : index
      %get3A_329 = tpu.vector_load %arg6[%get3A_327, %get3A_328] {strides = array<i32>} : memref<80x128xi32, #tpu.memory_space<vmem>>, vector<1x16xi32>,
      %get3A_330 = vector.shape_cast %get3A_329 : vector<1x16xi32> to vector<16xi32>
      %swap3A_331 = arith.constant 32 : index
      %swap3A_332 = tpu.vector_load %arg11[%swap3A_331] {strides = array<i32>} : memref<128xi32, #tpu.memory_space<vmem>>, vector<16xi32>,
      %swap3A_333 = vector.shape_cast %swap3A_332 : vector<16xi32> to vector<16xi32>
      %swap3A_334 = vector.shape_cast %get3A_330 : vector<16xi32> to vector<16xi32>
      tpu.vector_store %arg11[%swap3A_331], %swap3A_334 {strides = array<i32>} : memref<128xi32, #tpu.memory_space<vmem>>, vector<16xi32>,
      %get3A_335 = arith.index_cast %add3A_310 : i32 to index
      %get3A_336 = arith.constant 48 : index
      %get3A_337 = tpu.vector_load %arg6[%get3A_335, %get3A_336] {strides = array<i32>} : memref<80x128xi32, #tpu.memory_space<vmem>>, vector<1x16xi32>,
      %get3A_338 = vector.shape_cast %get3A_337 : vector<1x16xi32> to vector<16xi32>
      %swap3A_339 = arith.constant 48 : index
      %swap3A_340 = tpu.vector_load %arg11[%swap3A_339] {strides = array<i32>} : memref<128xi32, #tpu.memory_space<vmem>>, vector<16xi32>,
      %swap3A_341 = vector.shape_cast %swap3A_340 : vector<16xi32> to vector<16xi32>
      %swap3A_342 = vector.shape_cast %get3A_338 : vector<16xi32> to vector<16xi32>
      tpu.vector_store %arg11[%swap3A_339], %swap3A_342 {strides = array<i32>} : memref<128xi32, #tpu.memory_space<vmem>>, vector<16xi32>,
      %get3A_343 = arith.index_cast %add3A_310 : i32 to index
      %get3A_344 = arith.constant 64 : index
      %get3A_345 = tpu.vector_load %arg6[%get3A_343, %get3A_344] {strides = array<i32>} : memref<80x128xi32, #tpu.memory_space<vmem>>, vector<1x16xi32>,
      %get3A_346 = vector.shape_cast %get3A_345 : vector<1x16xi32> to vector<16xi32>
      %swap3A_347 = arith.constant 64 : index
      %swap3A_348 = tpu.vector_load %arg11[%swap3A_347] {strides = array<i32>} : memref<128xi32, #tpu.memory_space<vmem>>, vector<16xi32>,
      %swap3A_349 = vector.shape_cast %swap3A_348 : vector<16xi32> to vector<16xi32>
      %swap3A_350 = vector.shape_cast %get3A_346 : vector<16xi32> to vector<16xi32>
      tpu.vector_store %arg11[%swap3A_347], %swap3A_350 {strides = array<i32>} : memref<128xi32, #tpu.memory_space<vmem>>, vector<16xi32>,
      %get3A_351 = arith.index_cast %add3A_310 : i32 to index
      %get3A_352 = arith.constant 80 : index
      %get3A_353 = tpu.vector_load %arg6[%get3A_351, %get3A_352] {strides = array<i32>} : memref<80x128xi32, #tpu.memory_space<vmem>>, vector<1x16xi32>,
      %get3A_354 = vector.shape_cast %get3A_353 : vector<1x16xi32> to vector<16xi32>
      %swap3A_355 = arith.constant 80 : index
      %swap3A_356 = tpu.vector_load %arg11[%swap3A_355] {strides = array<i32>} : memref<128xi32, #tpu.memory_space<vmem>>, vector<16xi32>,
      %swap3A_357 = vector.shape_cast %swap3A_356 : vector<16xi32> to vector<16xi32>
      %swap3A_358 = vector.shape_cast %get3A_354 : vector<16xi32> to vector<16xi32>
      tpu.vector_store %arg11[%swap3A_355], %swap3A_358 {strides = array<i32>} : memref<128xi32, #tpu.memory_space<vmem>>, vector<16xi32>,
      %get3A_359 = arith.index_cast %add3A_310 : i32 to index
      %get3A_360 = arith.constant 96 : index
      %get3A_361 = tpu.vector_load %arg6[%get3A_359, %get3A_360] {strides = array<i32>} : memref<80x128xi32, #tpu.memory_space<vmem>>, vector<1x16xi32>,
      %get3A_362 = vector.shape_cast %get3A_361 : vector<1x16xi32> to vector<16xi32>
      %swap3A_363 = arith.constant 96 : index
      %swap3A_364 = tpu.vector_load %arg11[%swap3A_363] {strides = array<i32>} : memref<128xi32, #tpu.memory_space<vmem>>, vector<16xi32>,
      %swap3A_365 = vector.shape_cast %swap3A_364 : vector<16xi32> to vector<16xi32>
      %swap3A_366 = vector.shape_cast %get3A_362 : vector<16xi32> to vector<16xi32>
      tpu.vector_store %arg11[%swap3A_363], %swap3A_366 {strides = array<i32>} : memref<128xi32, #tpu.memory_space<vmem>>, vector<16xi32>,
      %get3A_367 = arith.index_cast %add3A_310 : i32 to index
      %get3A_368 = arith.constant 112 : index
      %get3A_369 = tpu.vector_load %arg6[%get3A_367, %get3A_368] {strides = array<i32>} : memref<80x128xi32, #tpu.memory_space<vmem>>, vector<1x16xi32>,
      %get3A_370 = vector.shape_cast %get3A_369 : vector<1x16xi32> to vector<16xi32>
      %swap3A_371 = arith.constant 112 : index
      %swap3A_372 = tpu.vector_load %arg11[%swap3A_371] {strides = array<i32>} : memref<128xi32, #tpu.memory_space<vmem>>, vector<16xi32>,
      %swap3A_373 = vector.shape_cast %swap3A_372 : vector<16xi32> to vector<16xi32>
      %swap3A_374 = vector.shape_cast %get3A_370 : vector<16xi32> to vector<16xi32>
      tpu.vector_store %arg11[%swap3A_371], %swap3A_374 {strides = array<i32>} : memref<128xi32, #tpu.memory_space<vmem>>, vector<16xi32>,
      %dma_start3A_375 = arith.constant 0 : i32
      %dma_start3A_376 = arith.constant 0 : i32
      %dma_start3A_377 = tpu.memref_slice %arg5[%dma_start3A_375, %dma_start3A_376] : memref<10240x16xf32, #tpu.memory_space<vmem_shared>> -> memref<10240x16xf32, #tpu.memory_space<vmem_shared>>
      tpu.enqueue_indirect_dma source(%arg15 : memref<128x16xf32, #tpu.memory_space<vmem>>) target(%dma_start3A_377 : memref<10240x16xf32, #tpu.memory_space<vmem_shared>>) offsets(%arg11 : memref<128xi32, #tpu.memory_space<vmem>>) semaphore(%arg20 : memref<!tpu.dma_semaphore, #tpu.memory_space<semaphore_mem>>) {add = true}
      %mul3A_378 = arith.constant 8 : i32
      %mul3A_379 = arith.muli %add3A_25, %mul3A_378 : i32
      %add3A_380 = arith.constant 5 : i32
      %add3A_381 = arith.addi %mul3A_379, %add3A_380 : i32
      %get3A_382 = arith.index_cast %add3A_381 : i32 to index
      %get3A_383 = arith.constant 0 : index
      %get3A_384 = tpu.vector_load %arg6[%get3A_382, %get3A_383] {strides = array<i32>} : memref<80x128xi32, #tpu.memory_space<vmem>>, vector<1x16xi32>,
      %get3A_385 = vector.shape_cast %get3A_384 : vector<1x16xi32> to vector<16xi32>
      %swap3A_386 = arith.constant 0 : index
      %swap3A_387 = tpu.vector_load %arg12[%swap3A_386] {strides = array<i32>} : memref<128xi32, #tpu.memory_space<vmem>>, vector<16xi32>,
      %swap3A_388 = vector.shape_cast %swap3A_387 : vector<16xi32> to vector<16xi32>
      %swap3A_389 = vector.shape_cast %get3A_385 : vector<16xi32> to vector<16xi32>
      tpu.vector_store %arg12[%swap3A_386], %swap3A_389 {strides = array<i32>} : memref<128xi32, #tpu.memory_space<vmem>>, vector<16xi32>,
      %get3A_390 = arith.index_cast %add3A_381 : i32 to index
      %get3A_391 = arith.constant 16 : index
      %get3A_392 = tpu.vector_load %arg6[%get3A_390, %get3A_391] {strides = array<i32>} : memref<80x128xi32, #tpu.memory_space<vmem>>, vector<1x16xi32>,
      %get3A_393 = vector.shape_cast %get3A_392 : vector<1x16xi32> to vector<16xi32>
      %swap3A_394 = arith.constant 16 : index
      %swap3A_395 = tpu.vector_load %arg12[%swap3A_394] {strides = array<i32>} : memref<128xi32, #tpu.memory_space<vmem>>, vector<16xi32>,
      %swap3A_396 = vector.shape_cast %swap3A_395 : vector<16xi32> to vector<16xi32>
      %swap3A_397 = vector.shape_cast %get3A_393 : vector<16xi32> to vector<16xi32>
      tpu.vector_store %arg12[%swap3A_394], %swap3A_397 {strides = array<i32>} : memref<128xi32, #tpu.memory_space<vmem>>, vector<16xi32>,
      %get3A_398 = arith.index_cast %add3A_381 : i32 to index
      %get3A_399 = arith.constant 32 : index
      %get3A_400 = tpu.vector_load %arg6[%get3A_398, %get3A_399] {strides = array<i32>} : memref<80x128xi32, #tpu.memory_space<vmem>>, vector<1x16xi32>,
      %get3A_401 = vector.shape_cast %get3A_400 : vector<1x16xi32> to vector<16xi32>
      %swap3A_402 = arith.constant 32 : index
      %swap3A_403 = tpu.vector_load %arg12[%swap3A_402] {strides = array<i32>} : memref<128xi32, #tpu.memory_space<vmem>>, vector<16xi32>,
      %swap3A_404 = vector.shape_cast %swap3A_403 : vector<16xi32> to vector<16xi32>
      %swap3A_405 = vector.shape_cast %get3A_401 : vector<16xi32> to vector<16xi32>
      tpu.vector_store %arg12[%swap3A_402], %swap3A_405 {strides = array<i32>} : memref<128xi32, #tpu.memory_space<vmem>>, vector<16xi32>,
      %get3A_406 = arith.index_cast %add3A_381 : i32 to index
      %get3A_407 = arith.constant 48 : index
      %get3A_408 = tpu.vector_load %arg6[%get3A_406, %get3A_407] {strides = array<i32>} : memref<80x128xi32, #tpu.memory_space<vmem>>, vector<1x16xi32>,
      %get3A_409 = vector.shape_cast %get3A_408 : vector<1x16xi32> to vector<16xi32>
      %swap3A_410 = arith.constant 48 : index
      %swap3A_411 = tpu.vector_load %arg12[%swap3A_410] {strides = array<i32>} : memref<128xi32, #tpu.memory_space<vmem>>, vector<16xi32>,
      %swap3A_412 = vector.shape_cast %swap3A_411 : vector<16xi32> to vector<16xi32>
      %swap3A_413 = vector.shape_cast %get3A_409 : vector<16xi32> to vector<16xi32>
      tpu.vector_store %arg12[%swap3A_410], %swap3A_413 {strides = array<i32>} : memref<128xi32, #tpu.memory_space<vmem>>, vector<16xi32>,
      %get3A_414 = arith.index_cast %add3A_381 : i32 to index
      %get3A_415 = arith.constant 64 : index
      %get3A_416 = tpu.vector_load %arg6[%get3A_414, %get3A_415] {strides = array<i32>} : memref<80x128xi32, #tpu.memory_space<vmem>>, vector<1x16xi32>,
      %get3A_417 = vector.shape_cast %get3A_416 : vector<1x16xi32> to vector<16xi32>
      %swap3A_418 = arith.constant 64 : index
      %swap3A_419 = tpu.vector_load %arg12[%swap3A_418] {strides = array<i32>} : memref<128xi32, #tpu.memory_space<vmem>>, vector<16xi32>,
      %swap3A_420 = vector.shape_cast %swap3A_419 : vector<16xi32> to vector<16xi32>
      %swap3A_421 = vector.shape_cast %get3A_417 : vector<16xi32> to vector<16xi32>
      tpu.vector_store %arg12[%swap3A_418], %swap3A_421 {strides = array<i32>} : memref<128xi32, #tpu.memory_space<vmem>>, vector<16xi32>,
      %get3A_422 = arith.index_cast %add3A_381 : i32 to index
      %get3A_423 = arith.constant 80 : index
      %get3A_424 = tpu.vector_load %arg6[%get3A_422, %get3A_423] {strides = array<i32>} : memref<80x128xi32, #tpu.memory_space<vmem>>, vector<1x16xi32>,
      %get3A_425 = vector.shape_cast %get3A_424 : vector<1x16xi32> to vector<16xi32>
      %swap3A_426 = arith.constant 80 : index
      %swap3A_427 = tpu.vector_load %arg12[%swap3A_426] {strides = array<i32>} : memref<128xi32, #tpu.memory_space<vmem>>, vector<16xi32>,
      %swap3A_428 = vector.shape_cast %swap3A_427 : vector<16xi32> to vector<16xi32>
      %swap3A_429 = vector.shape_cast %get3A_425 : vector<16xi32> to vector<16xi32>
      tpu.vector_store %arg12[%swap3A_426], %swap3A_429 {strides = array<i32>} : memref<128xi32, #tpu.memory_space<vmem>>, vector<16xi32>,
      %get3A_430 = arith.index_cast %add3A_381 : i32 to index
      %get3A_431 = arith.constant 96 : index
      %get3A_432 = tpu.vector_load %arg6[%get3A_430, %get3A_431] {strides = array<i32>} : memref<80x128xi32, #tpu.memory_space<vmem>>, vector<1x16xi32>,
      %get3A_433 = vector.shape_cast %get3A_432 : vector<1x16xi32> to vector<16xi32>
      %swap3A_434 = arith.constant 96 : index
      %swap3A_435 = tpu.vector_load %arg12[%swap3A_434] {strides = array<i32>} : memref<128xi32, #tpu.memory_space<vmem>>, vector<16xi32>,
      %swap3A_436 = vector.shape_cast %swap3A_435 : vector<16xi32> to vector<16xi32>
      %swap3A_437 = vector.shape_cast %get3A_433 : vector<16xi32> to vector<16xi32>
      tpu.vector_store %arg12[%swap3A_434], %swap3A_437 {strides = array<i32>} : memref<128xi32, #tpu.memory_space<vmem>>, vector<16xi32>,
      %get3A_438 = arith.index_cast %add3A_381 : i32 to index
      %get3A_439 = arith.constant 112 : index
      %get3A_440 = tpu.vector_load %arg6[%get3A_438, %get3A_439] {strides = array<i32>} : memref<80x128xi32, #tpu.memory_space<vmem>>, vector<1x16xi32>,
      %get3A_441 = vector.shape_cast %get3A_440 : vector<1x16xi32> to vector<16xi32>
      %swap3A_442 = arith.constant 112 : index
      %swap3A_443 = tpu.vector_load %arg12[%swap3A_442] {strides = array<i32>} : memref<128xi32, #tpu.memory_space<vmem>>, vector<16xi32>,
      %swap3A_444 = vector.shape_cast %swap3A_443 : vector<16xi32> to vector<16xi32>
      %swap3A_445 = vector.shape_cast %get3A_441 : vector<16xi32> to vector<16xi32>
      tpu.vector_store %arg12[%swap3A_442], %swap3A_445 {strides = array<i32>} : memref<128xi32, #tpu.memory_space<vmem>>, vector<16xi32>,
      %dma_start3A_446 = arith.constant 0 : i32
      %dma_start3A_447 = arith.constant 0 : i32
      %dma_start3A_448 = tpu.memref_slice %arg5[%dma_start3A_446, %dma_start3A_447] : memref<10240x16xf32, #tpu.memory_space<vmem_shared>> -> memref<10240x16xf32, #tpu.memory_space<vmem_shared>>
      tpu.enqueue_indirect_dma source(%arg15 : memref<128x16xf32, #tpu.memory_space<vmem>>) target(%dma_start3A_448 : memref<10240x16xf32, #tpu.memory_space<vmem_shared>>) offsets(%arg12 : memref<128xi32, #tpu.memory_space<vmem>>) semaphore(%arg21 : memref<!tpu.dma_semaphore, #tpu.memory_space<semaphore_mem>>) {add = true}
      %mul3A_449 = arith.constant 8 : i32
      %mul3A_450 = arith.muli %add3A_25, %mul3A_449 : i32
      %add3A_451 = arith.constant 6 : i32
      %add3A_452 = arith.addi %mul3A_450, %add3A_451 : i32
      %get3A_453 = arith.index_cast %add3A_452 : i32 to index
      %get3A_454 = arith.constant 0 : index
      %get3A_455 = tpu.vector_load %arg6[%get3A_453, %get3A_454] {strides = array<i32>} : memref<80x128xi32, #tpu.memory_space<vmem>>, vector<1x16xi32>,
      %get3A_456 = vector.shape_cast %get3A_455 : vector<1x16xi32> to vector<16xi32>
      %swap3A_457 = arith.constant 0 : index
      %swap3A_458 = tpu.vector_load %arg13[%swap3A_457] {strides = array<i32>} : memref<128xi32, #tpu.memory_space<vmem>>, vector<16xi32>,
      %swap3A_459 = vector.shape_cast %swap3A_458 : vector<16xi32> to vector<16xi32>
      %swap3A_460 = vector.shape_cast %get3A_456 : vector<16xi32> to vector<16xi32>
      tpu.vector_store %arg13[%swap3A_457], %swap3A_460 {strides = array<i32>} : memref<128xi32, #tpu.memory_space<vmem>>, vector<16xi32>,
      %get3A_461 = arith.index_cast %add3A_452 : i32 to index
      %get3A_462 = arith.constant 16 : index
      %get3A_463 = tpu.vector_load %arg6[%get3A_461, %get3A_462] {strides = array<i32>} : memref<80x128xi32, #tpu.memory_space<vmem>>, vector<1x16xi32>,
      %get3A_464 = vector.shape_cast %get3A_463 : vector<1x16xi32> to vector<16xi32>
      %swap3A_465 = arith.constant 16 : index
      %swap3A_466 = tpu.vector_load %arg13[%swap3A_465] {strides = array<i32>} : memref<128xi32, #tpu.memory_space<vmem>>, vector<16xi32>,
      %swap3A_467 = vector.shape_cast %swap3A_466 : vector<16xi32> to vector<16xi32>
      %swap3A_468 = vector.shape_cast %get3A_464 : vector<16xi32> to vector<16xi32>
      tpu.vector_store %arg13[%swap3A_465], %swap3A_468 {strides = array<i32>} : memref<128xi32, #tpu.memory_space<vmem>>, vector<16xi32>,
      %get3A_469 = arith.index_cast %add3A_452 : i32 to index
      %get3A_470 = arith.constant 32 : index
      %get3A_471 = tpu.vector_load %arg6[%get3A_469, %get3A_470] {strides = array<i32>} : memref<80x128xi32, #tpu.memory_space<vmem>>, vector<1x16xi32>,
      %get3A_472 = vector.shape_cast %get3A_471 : vector<1x16xi32> to vector<16xi32>
      %swap3A_473 = arith.constant 32 : index
      %swap3A_474 = tpu.vector_load %arg13[%swap3A_473] {strides = array<i32>} : memref<128xi32, #tpu.memory_space<vmem>>, vector<16xi32>,
      %swap3A_475 = vector.shape_cast %swap3A_474 : vector<16xi32> to vector<16xi32>
      %swap3A_476 = vector.shape_cast %get3A_472 : vector<16xi32> to vector<16xi32>
      tpu.vector_store %arg13[%swap3A_473], %swap3A_476 {strides = array<i32>} : memref<128xi32, #tpu.memory_space<vmem>>, vector<16xi32>,
      %get3A_477 = arith.index_cast %add3A_452 : i32 to index
      %get3A_478 = arith.constant 48 : index
      %get3A_479 = tpu.vector_load %arg6[%get3A_477, %get3A_478] {strides = array<i32>} : memref<80x128xi32, #tpu.memory_space<vmem>>, vector<1x16xi32>,
      %get3A_480 = vector.shape_cast %get3A_479 : vector<1x16xi32> to vector<16xi32>
      %swap3A_481 = arith.constant 48 : index
      %swap3A_482 = tpu.vector_load %arg13[%swap3A_481] {strides = array<i32>} : memref<128xi32, #tpu.memory_space<vmem>>, vector<16xi32>,
      %swap3A_483 = vector.shape_cast %swap3A_482 : vector<16xi32> to vector<16xi32>
      %swap3A_484 = vector.shape_cast %get3A_480 : vector<16xi32> to vector<16xi32>
      tpu.vector_store %arg13[%swap3A_481], %swap3A_484 {strides = array<i32>} : memref<128xi32, #tpu.memory_space<vmem>>, vector<16xi32>,
      %get3A_485 = arith.index_cast %add3A_452 : i32 to index
      %get3A_486 = arith.constant 64 : index
      %get3A_487 = tpu.vector_load %arg6[%get3A_485, %get3A_486] {strides = array<i32>} : memref<80x128xi32, #tpu.memory_space<vmem>>, vector<1x16xi32>,
      %get3A_488 = vector.shape_cast %get3A_487 : vector<1x16xi32> to vector<16xi32>
      %swap3A_489 = arith.constant 64 : index
      %swap3A_490 = tpu.vector_load %arg13[%swap3A_489] {strides = array<i32>} : memref<128xi32, #tpu.memory_space<vmem>>, vector<16xi32>,
      %swap3A_491 = vector.shape_cast %swap3A_490 : vector<16xi32> to vector<16xi32>
      %swap3A_492 = vector.shape_cast %get3A_488 : vector<16xi32> to vector<16xi32>
      tpu.vector_store %arg13[%swap3A_489], %swap3A_492 {strides = array<i32>} : memref<128xi32, #tpu.memory_space<vmem>>, vector<16xi32>,
      %get3A_493 = arith.index_cast %add3A_452 : i32 to index
      %get3A_494 = arith.constant 80 : index
      %get3A_495 = tpu.vector_load %arg6[%get3A_493, %get3A_494] {strides = array<i32>} : memref<80x128xi32, #tpu.memory_space<vmem>>, vector<1x16xi32>,
      %get3A_496 = vector.shape_cast %get3A_495 : vector<1x16xi32> to vector<16xi32>
      %swap3A_497 = arith.constant 80 : index
      %swap3A_498 = tpu.vector_load %arg13[%swap3A_497] {strides = array<i32>} : memref<128xi32, #tpu.memory_space<vmem>>, vector<16xi32>,
      %swap3A_499 = vector.shape_cast %swap3A_498 : vector<16xi32> to vector<16xi32>
      %swap3A_500 = vector.shape_cast %get3A_496 : vector<16xi32> to vector<16xi32>
      tpu.vector_store %arg13[%swap3A_497], %swap3A_500 {strides = array<i32>} : memref<128xi32, #tpu.memory_space<vmem>>, vector<16xi32>,
      %get3A_501 = arith.index_cast %add3A_452 : i32 to index
      %get3A_502 = arith.constant 96 : index
      %get3A_503 = tpu.vector_load %arg6[%get3A_501, %get3A_502] {strides = array<i32>} : memref<80x128xi32, #tpu.memory_space<vmem>>, vector<1x16xi32>,
      %get3A_504 = vector.shape_cast %get3A_503 : vector<1x16xi32> to vector<16xi32>
      %swap3A_505 = arith.constant 96 : index
      %swap3A_506 = tpu.vector_load %arg13[%swap3A_505] {strides = array<i32>} : memref<128xi32, #tpu.memory_space<vmem>>, vector<16xi32>,
      %swap3A_507 = vector.shape_cast %swap3A_506 : vector<16xi32> to vector<16xi32>
      %swap3A_508 = vector.shape_cast %get3A_504 : vector<16xi32> to vector<16xi32>
      tpu.vector_store %arg13[%swap3A_505], %swap3A_508 {strides = array<i32>} : memref<128xi32, #tpu.memory_space<vmem>>, vector<16xi32>,
      %get3A_509 = arith.index_cast %add3A_452 : i32 to index
      %get3A_510 = arith.constant 112 : index
      %get3A_511 = tpu.vector_load %arg6[%get3A_509, %get3A_510] {strides = array<i32>} : memref<80x128xi32, #tpu.memory_space<vmem>>, vector<1x16xi32>,
      %get3A_512 = vector.shape_cast %get3A_511 : vector<1x16xi32> to vector<16xi32>
      %swap3A_513 = arith.constant 112 : index
      %swap3A_514 = tpu.vector_load %arg13[%swap3A_513] {strides = array<i32>} : memref<128xi32, #tpu.memory_space<vmem>>, vector<16xi32>,
      %swap3A_515 = vector.shape_cast %swap3A_514 : vector<16xi32> to vector<16xi32>
      %swap3A_516 = vector.shape_cast %get3A_512 : vector<16xi32> to vector<16xi32>
      tpu.vector_store %arg13[%swap3A_513], %swap3A_516 {strides = array<i32>} : memref<128xi32, #tpu.memory_space<vmem>>, vector<16xi32>,
      %dma_start3A_517 = arith.constant 0 : i32
      %dma_start3A_518 = arith.constant 0 : i32
      %dma_start3A_519 = tpu.memref_slice %arg5[%dma_start3A_517, %dma_start3A_518] : memref<10240x16xf32, #tpu.memory_space<vmem_shared>> -> memref<10240x16xf32, #tpu.memory_space<vmem_shared>>
      tpu.enqueue_indirect_dma source(%arg15 : memref<128x16xf32, #tpu.memory_space<vmem>>) target(%dma_start3A_519 : memref<10240x16xf32, #tpu.memory_space<vmem_shared>>) offsets(%arg13 : memref<128xi32, #tpu.memory_space<vmem>>) semaphore(%arg22 : memref<!tpu.dma_semaphore, #tpu.memory_space<semaphore_mem>>) {add = true}
      %mul3A_520 = arith.constant 8 : i32
      %mul3A_521 = arith.muli %add3A_25, %mul3A_520 : i32
      %add3A_522 = arith.constant 7 : i32
      %add3A_523 = arith.addi %mul3A_521, %add3A_522 : i32
      %get3A_524 = arith.index_cast %add3A_523 : i32 to index
      %get3A_525 = arith.constant 0 : index
      %get3A_526 = tpu.vector_load %arg6[%get3A_524, %get3A_525] {strides = array<i32>} : memref<80x128xi32, #tpu.memory_space<vmem>>, vector<1x16xi32>,
      %get3A_527 = vector.shape_cast %get3A_526 : vector<1x16xi32> to vector<16xi32>
      %swap3A_528 = arith.constant 0 : index
      %swap3A_529 = tpu.vector_load %arg14[%swap3A_528] {strides = array<i32>} : memref<128xi32, #tpu.memory_space<vmem>>, vector<16xi32>,
      %swap3A_530 = vector.shape_cast %swap3A_529 : vector<16xi32> to vector<16xi32>
      %swap3A_531 = vector.shape_cast %get3A_527 : vector<16xi32> to vector<16xi32>
      tpu.vector_store %arg14[%swap3A_528], %swap3A_531 {strides = array<i32>} : memref<128xi32, #tpu.memory_space<vmem>>, vector<16xi32>,
      %get3A_532 = arith.index_cast %add3A_523 : i32 to index
      %get3A_533 = arith.constant 16 : index
      %get3A_534 = tpu.vector_load %arg6[%get3A_532, %get3A_533] {strides = array<i32>} : memref<80x128xi32, #tpu.memory_space<vmem>>, vector<1x16xi32>,
      %get3A_535 = vector.shape_cast %get3A_534 : vector<1x16xi32> to vector<16xi32>
      %swap3A_536 = arith.constant 16 : index
      %swap3A_537 = tpu.vector_load %arg14[%swap3A_536] {strides = array<i32>} : memref<128xi32, #tpu.memory_space<vmem>>, vector<16xi32>,
      %swap3A_538 = vector.shape_cast %swap3A_537 : vector<16xi32> to vector<16xi32>
      %swap3A_539 = vector.shape_cast %get3A_535 : vector<16xi32> to vector<16xi32>
      tpu.vector_store %arg14[%swap3A_536], %swap3A_539 {strides = array<i32>} : memref<128xi32, #tpu.memory_space<vmem>>, vector<16xi32>,
      %get3A_540 = arith.index_cast %add3A_523 : i32 to index
      %get3A_541 = arith.constant 32 : index
      %get3A_542 = tpu.vector_load %arg6[%get3A_540, %get3A_541] {strides = array<i32>} : memref<80x128xi32, #tpu.memory_space<vmem>>, vector<1x16xi32>,
      %get3A_543 = vector.shape_cast %get3A_542 : vector<1x16xi32> to vector<16xi32>
      %swap3A_544 = arith.constant 32 : index
      %swap3A_545 = tpu.vector_load %arg14[%swap3A_544] {strides = array<i32>} : memref<128xi32, #tpu.memory_space<vmem>>, vector<16xi32>,
      %swap3A_546 = vector.shape_cast %swap3A_545 : vector<16xi32> to vector<16xi32>
      %swap3A_547 = vector.shape_cast %get3A_543 : vector<16xi32> to vector<16xi32>
      tpu.vector_store %arg14[%swap3A_544], %swap3A_547 {strides = array<i32>} : memref<128xi32, #tpu.memory_space<vmem>>, vector<16xi32>,
      %get3A_548 = arith.index_cast %add3A_523 : i32 to index
      %get3A_549 = arith.constant 48 : index
      %get3A_550 = tpu.vector_load %arg6[%get3A_548, %get3A_549] {strides = array<i32>} : memref<80x128xi32, #tpu.memory_space<vmem>>, vector<1x16xi32>,
      %get3A_551 = vector.shape_cast %get3A_550 : vector<1x16xi32> to vector<16xi32>
      %swap3A_552 = arith.constant 48 : index
      %swap3A_553 = tpu.vector_load %arg14[%swap3A_552] {strides = array<i32>} : memref<128xi32, #tpu.memory_space<vmem>>, vector<16xi32>,
      %swap3A_554 = vector.shape_cast %swap3A_553 : vector<16xi32> to vector<16xi32>
      %swap3A_555 = vector.shape_cast %get3A_551 : vector<16xi32> to vector<16xi32>
      tpu.vector_store %arg14[%swap3A_552], %swap3A_555 {strides = array<i32>} : memref<128xi32, #tpu.memory_space<vmem>>, vector<16xi32>,
      %get3A_556 = arith.index_cast %add3A_523 : i32 to index
      %get3A_557 = arith.constant 64 : index
      %get3A_558 = tpu.vector_load %arg6[%get3A_556, %get3A_557] {strides = array<i32>} : memref<80x128xi32, #tpu.memory_space<vmem>>, vector<1x16xi32>,
      %get3A_559 = vector.shape_cast %get3A_558 : vector<1x16xi32> to vector<16xi32>
      %swap3A_560 = arith.constant 64 : index
      %swap3A_561 = tpu.vector_load %arg14[%swap3A_560] {strides = array<i32>} : memref<128xi32, #tpu.memory_space<vmem>>, vector<16xi32>,
      %swap3A_562 = vector.shape_cast %swap3A_561 : vector<16xi32> to vector<16xi32>
      %swap3A_563 = vector.shape_cast %get3A_559 : vector<16xi32> to vector<16xi32>
      tpu.vector_store %arg14[%swap3A_560], %swap3A_563 {strides = array<i32>} : memref<128xi32, #tpu.memory_space<vmem>>, vector<16xi32>,
      %get3A_564 = arith.index_cast %add3A_523 : i32 to index
      %get3A_565 = arith.constant 80 : index
      %get3A_566 = tpu.vector_load %arg6[%get3A_564, %get3A_565] {strides = array<i32>} : memref<80x128xi32, #tpu.memory_space<vmem>>, vector<1x16xi32>,
      %get3A_567 = vector.shape_cast %get3A_566 : vector<1x16xi32> to vector<16xi32>
      %swap3A_568 = arith.constant 80 : index
      %swap3A_569 = tpu.vector_load %arg14[%swap3A_568] {strides = array<i32>} : memref<128xi32, #tpu.memory_space<vmem>>, vector<16xi32>,
      %swap3A_570 = vector.shape_cast %swap3A_569 : vector<16xi32> to vector<16xi32>
      %swap3A_571 = vector.shape_cast %get3A_567 : vector<16xi32> to vector<16xi32>
      tpu.vector_store %arg14[%swap3A_568], %swap3A_571 {strides = array<i32>} : memref<128xi32, #tpu.memory_space<vmem>>, vector<16xi32>,
      %get3A_572 = arith.index_cast %add3A_523 : i32 to index
      %get3A_573 = arith.constant 96 : index
      %get3A_574 = tpu.vector_load %arg6[%get3A_572, %get3A_573] {strides = array<i32>} : memref<80x128xi32, #tpu.memory_space<vmem>>, vector<1x16xi32>,
      %get3A_575 = vector.shape_cast %get3A_574 : vector<1x16xi32> to vector<16xi32>
      %swap3A_576 = arith.constant 96 : index
      %swap3A_577 = tpu.vector_load %arg14[%swap3A_576] {strides = array<i32>} : memref<128xi32, #tpu.memory_space<vmem>>, vector<16xi32>,
      %swap3A_578 = vector.shape_cast %swap3A_577 : vector<16xi32> to vector<16xi32>
      %swap3A_579 = vector.shape_cast %get3A_575 : vector<16xi32> to vector<16xi32>
      tpu.vector_store %arg14[%swap3A_576], %swap3A_579 {strides = array<i32>} : memref<128xi32, #tpu.memory_space<vmem>>, vector<16xi32>,
      %get3A_580 = arith.index_cast %add3A_523 : i32 to index
      %get3A_581 = arith.constant 112 : index
      %get3A_582 = tpu.vector_load %arg6[%get3A_580, %get3A_581] {strides = array<i32>} : memref<80x128xi32, #tpu.memory_space<vmem>>, vector<1x16xi32>,
      %get3A_583 = vector.shape_cast %get3A_582 : vector<1x16xi32> to vector<16xi32>
      %swap3A_584 = arith.constant 112 : index
      %swap3A_585 = tpu.vector_load %arg14[%swap3A_584] {strides = array<i32>} : memref<128xi32, #tpu.memory_space<vmem>>, vector<16xi32>,
      %swap3A_586 = vector.shape_cast %swap3A_585 : vector<16xi32> to vector<16xi32>
      %swap3A_587 = vector.shape_cast %get3A_583 : vector<16xi32> to vector<16xi32>
      tpu.vector_store %arg14[%swap3A_584], %swap3A_587 {strides = array<i32>} : memref<128xi32, #tpu.memory_space<vmem>>, vector<16xi32>,
      %dma_start3A_588 = arith.constant 0 : i32
      %dma_start3A_589 = arith.constant 0 : i32
      %dma_start3A_590 = tpu.memref_slice %arg5[%dma_start3A_588, %dma_start3A_589] : memref<10240x16xf32, #tpu.memory_space<vmem_shared>> -> memref<10240x16xf32, #tpu.memory_space<vmem_shared>>
      tpu.enqueue_indirect_dma source(%arg15 : memref<128x16xf32, #tpu.memory_space<vmem>>) target(%dma_start3A_590 : memref<10240x16xf32, #tpu.memory_space<vmem_shared>>) offsets(%arg14 : memref<128xi32, #tpu.memory_space<vmem>>) semaphore(%arg23 : memref<!tpu.dma_semaphore, #tpu.memory_space<semaphore_mem>>) {add = true}
      %dma_wait3A = arith.constant 0 : i32
      %dma_wait3A_591 = arith.constant 0 : i32
      %dma_wait3A_592 = tpu.memref_slice %arg5[%dma_wait3A, %dma_wait3A_591] : memref<10240x16xf32, #tpu.memory_space<vmem_shared>> -> memref<10240x16xf32, #tpu.memory_space<vmem_shared>>
      tpu.wait_indirect_dma semaphore(%arg16 : memref<!tpu.dma_semaphore, #tpu.memory_space<semaphore_mem>>) src(%arg15 : memref<128x16xf32, #tpu.memory_space<vmem>>) dst(%dma_wait3A_592 : memref<10240x16xf32, #tpu.memory_space<vmem_shared>>)
      %dma_wait3A_593 = arith.constant 0 : i32
      %dma_wait3A_594 = arith.constant 0 : i32
      %dma_wait3A_595 = tpu.memref_slice %arg5[%dma_wait3A_593, %dma_wait3A_594] : memref<10240x16xf32, #tpu.memory_space<vmem_shared>> -> memref<10240x16xf32, #tpu.memory_space<vmem_shared>>
      tpu.wait_indirect_dma semaphore(%arg17 : memref<!tpu.dma_semaphore, #tpu.memory_space<semaphore_mem>>) src(%arg15 : memref<128x16xf32, #tpu.memory_space<vmem>>) dst(%dma_wait3A_595 : memref<10240x16xf32, #tpu.memory_space<vmem_shared>>)
      %dma_wait3A_596 = arith.constant 0 : i32
      %dma_wait3A_597 = arith.constant 0 : i32
      %dma_wait3A_598 = tpu.memref_slice %arg5[%dma_wait3A_596, %dma_wait3A_597] : memref<10240x16xf32, #tpu.memory_space<vmem_shared>> -> memref<10240x16xf32, #tpu.memory_space<vmem_shared>>
      tpu.wait_indirect_dma semaphore(%arg18 : memref<!tpu.dma_semaphore, #tpu.memory_space<semaphore_mem>>) src(%arg15 : memref<128x16xf32, #tpu.memory_space<vmem>>) dst(%dma_wait3A_598 : memref<10240x16xf32, #tpu.memory_space<vmem_shared>>)
      %dma_wait3A_599 = arith.constant 0 : i32
      %dma_wait3A_600 = arith.constant 0 : i32
      %dma_wait3A_601 = tpu.memref_slice %arg5[%dma_wait3A_599, %dma_wait3A_600] : memref<10240x16xf32, #tpu.memory_space<vmem_shared>> -> memref<10240x16xf32, #tpu.memory_space<vmem_shared>>
      tpu.wait_indirect_dma semaphore(%arg19 : memref<!tpu.dma_semaphore, #tpu.memory_space<semaphore_mem>>) src(%arg15 : memref<128x16xf32, #tpu.memory_space<vmem>>) dst(%dma_wait3A_601 : memref<10240x16xf32, #tpu.memory_space<vmem_shared>>)
      %dma_wait3A_602 = arith.constant 0 : i32
      %dma_wait3A_603 = arith.constant 0 : i32
      %dma_wait3A_604 = tpu.memref_slice %arg5[%dma_wait3A_602, %dma_wait3A_603] : memref<10240x16xf32, #tpu.memory_space<vmem_shared>> -> memref<10240x16xf32, #tpu.memory_space<vmem_shared>>
      tpu.wait_indirect_dma semaphore(%arg20 : memref<!tpu.dma_semaphore, #tpu.memory_space<semaphore_mem>>) src(%arg15 : memref<128x16xf32, #tpu.memory_space<vmem>>) dst(%dma_wait3A_604 : memref<10240x16xf32, #tpu.memory_space<vmem_shared>>)
      %dma_wait3A_605 = arith.constant 0 : i32
      %dma_wait3A_606 = arith.constant 0 : i32
      %dma_wait3A_607 = tpu.memref_slice %arg5[%dma_wait3A_605, %dma_wait3A_606] : memref<10240x16xf32, #tpu.memory_space<vmem_shared>> -> memref<10240x16xf32, #tpu.memory_space<vmem_shared>>
      tpu.wait_indirect_dma semaphore(%arg21 : memref<!tpu.dma_semaphore, #tpu.memory_space<semaphore_mem>>) src(%arg15 : memref<128x16xf32, #tpu.memory_space<vmem>>) dst(%dma_wait3A_607 : memref<10240x16xf32, #tpu.memory_space<vmem_shared>>)
      %dma_wait3A_608 = arith.constant 0 : i32
      %dma_wait3A_609 = arith.constant 0 : i32
      %dma_wait3A_610 = tpu.memref_slice %arg5[%dma_wait3A_608, %dma_wait3A_609] : memref<10240x16xf32, #tpu.memory_space<vmem_shared>> -> memref<10240x16xf32, #tpu.memory_space<vmem_shared>>
      tpu.wait_indirect_dma semaphore(%arg22 : memref<!tpu.dma_semaphore, #tpu.memory_space<semaphore_mem>>) src(%arg15 : memref<128x16xf32, #tpu.memory_space<vmem>>) dst(%dma_wait3A_610 : memref<10240x16xf32, #tpu.memory_space<vmem_shared>>)
      %dma_wait3A_611 = arith.constant 0 : i32
      %dma_wait3A_612 = arith.constant 0 : i32
      %dma_wait3A_613 = tpu.memref_slice %arg5[%dma_wait3A_611, %dma_wait3A_612] : memref<10240x16xf32, #tpu.memory_space<vmem_shared>> -> memref<10240x16xf32, #tpu.memory_space<vmem_shared>>
      tpu.wait_indirect_dma semaphore(%arg23 : memref<!tpu.dma_semaphore, #tpu.memory_space<semaphore_mem>>) src(%arg15 : memref<128x16xf32, #tpu.memory_space<vmem>>) dst(%dma_wait3A_613 : memref<10240x16xf32, #tpu.memory_space<vmem_shared>>)
    }
    %scan3A_15 = arith.constant 10 : i32
    %barrier3A_16 = arith.constant 0 : index
    tpu.barrier barrier_id(%barrier3A_16)
    %mul3A_17 = arith.constant 640 : i32
    %mul3A_18 = arith.muli %arg1, %mul3A_17 : i32
    %mul3A_19 = arith.constant 640 : i32
    %mul3A_20 = arith.muli %arg1, %mul3A_19 : i32
    "tpu.region"() ({
      %run_scoped3A = tpu.sem_alloc : memref<!tpu.dma_semaphore, #tpu.memory_space<semaphore_mem>>
      %dma_start3A = arith.constant 0 : i32
      %dma_start3A_21 = arith.constant 0 : i32
      %dma_start3A_22 = tpu.memref_slice %arg4[%arg0, %dma_start3A, %dma_start3A_21] : memref<2x10240x16xf32, #tpu.memory_space<hbm>> -> memref<1x10240x16xf32, #tpu.memory_space<hbm>>
      %dma_start3A_23 = tpu.memref_squeeze %dma_start3A_22 : memref<1x10240x16xf32, #tpu.memory_space<hbm>> -> memref<10240x16xf32, #tpu.memory_space<hbm>>
      %dma_start3A_24 = arith.constant 0 : i32
      %dma_start3A_25 = tpu.memref_slice %dma_start3A_23[%mul3A_20, %dma_start3A_24] : memref<10240x16xf32, #tpu.memory_space<hbm>> -> memref<640x16xf32, #tpu.memory_space<hbm>>
      %dma_start3A_26 = arith.constant 0 : i32
      %dma_start3A_27 = tpu.memref_slice %arg5[%mul3A_18, %dma_start3A_26] : memref<10240x16xf32, #tpu.memory_space<vmem_shared>> -> memref<640x16xf32, #tpu.memory_space<vmem_shared>>
      tpu.enqueue_dma source(%dma_start3A_27 : memref<640x16xf32, #tpu.memory_space<vmem_shared>>) target(%dma_start3A_25 : memref<640x16xf32, #tpu.memory_space<hbm>>) target_semaphore(%run_scoped3A : memref<!tpu.dma_semaphore, #tpu.memory_space<semaphore_mem>>)
      %dma_wait3A = arith.constant 0 : i32
      %dma_wait3A_28 = arith.constant 0 : i32
      %dma_wait3A_29 = tpu.memref_slice %arg4[%arg0, %dma_wait3A, %dma_wait3A_28] : memref<2x10240x16xf32, #tpu.memory_space<hbm>> -> memref<1x10240x16xf32, #tpu.memory_space<hbm>>
      %dma_wait3A_30 = tpu.memref_squeeze %dma_wait3A_29 : memref<1x10240x16xf32, #tpu.memory_space<hbm>> -> memref<10240x16xf32, #tpu.memory_space<hbm>>
      %dma_wait3A_31 = arith.constant 0 : i32
      %dma_wait3A_32 = tpu.memref_slice %dma_wait3A_30[%mul3A_20, %dma_wait3A_31] : memref<10240x16xf32, #tpu.memory_space<hbm>> -> memref<640x16xf32, #tpu.memory_space<hbm>>
      %dma_wait3A_33 = arith.constant 0 : i32
      %dma_wait3A_34 = tpu.memref_slice %arg5[%mul3A_18, %dma_wait3A_33] : memref<10240x16xf32, #tpu.memory_space<vmem_shared>> -> memref<640x16xf32, #tpu.memory_space<vmem_shared>>
      tpu.wait_dma2 semaphore(%run_scoped3A : memref<!tpu.dma_semaphore, #tpu.memory_space<semaphore_mem>>) src(%dma_wait3A_34 : memref<640x16xf32, #tpu.memory_space<vmem_shared>>) dst(%dma_wait3A_32 : memref<640x16xf32, #tpu.memory_space<hbm>>)
      tpu.yield
    }) : () -> ()
    return
  }
}

</mosaic_0001>

<sc_bundles>
// kernel: _deg_sc.3.cloned.1.call-start
scs
__scs_entry_jumppad:
0x0: {  	(pc) =	sbr.rel $0x88, $3  }
0x1: {  	(tag) =	ssettag $0x0;
	lr =	simm.s32 $0x1  }
0x2: {  	[smem:$0x3F9F] =	sst lr;
	_ =	strace $0xD0000000  }
0x3: {  	_ = 	snop  }
0x4: {  	_ = 	snop  }
0x5: {  	_ = 	snop  }
0x6: {  	_ = 	snop  }
0x7: {  	_ = 	snop  }
__scs_overlays_trampoline_lowered:
0x8: {  	[smem:$0x3FAE] =	sst s0  }
0x9: {  	[smem:$0x3FAF] =	sst s1  }
0xa: {  	[smem:$0x3FB0] =	sst s2  }
0xb: {  	[smem:$0x3FB1] =	sst s3  }
0xc: {  	[smem:$0x3FB2] =	sst s4  }
0xd: {  	[smem:$0x3FB3] =	sst s5  }
0xe: {  	[smem:$0x3FB4] =	sst s6  }
0xf: {  	[smem:$0x3FB5] =	sst s7  }
0x10: {  	[smem:$0x3FB6] =	sst s8  }
0x11: {  	[smem:$0x3FB7] =	sst s9;
	s0 =	simm.s32 @!p0 $0x0  }
0x12: {  	s1 =	sld [smem:$0x3F9D];
	s0 =	simm.s32 @p0 $0x1  }
0x13: {  	[smem:$0x3FB8] =	sst s0;
	s0 =	simm.s32 @!p1 $0x0  }
0x14: {  	s2 =	sld [smem:$0x3F9C];
	s0 =	simm.s32 @p1 $0x1  }
0x15: {  	[smem:$0x3FB9] =	sst s0;
	s0 =	simm.s32 @!p2 $0x0  }
0x16: {  	s3 =	sld [smem:$0x3FDB];
	s0 =	simm.s32 @p2 $0x1  }
0x17: {  	s4 =	simm.s32 $0x1BF5;
	[smem:$0x3FBB] =	sst s0  }
0x18: {  	s0 =	sld [smem:$0x3F9E];
	_ =	swait.ge [sflag:s4], $0x0  }
0x19: {  	s7 =	sld [smem:$0x3F9F]  }
0x1a: {  	s8 =	sadd.s32 $0xFFFFE003, lr  }
0x1b: {  	s9 =	sadd.s32 $0xFFFFFEF7, lr;
	s5 =	simm.s32 $0xFFFFFFFF;
	p2 =	slt.u32 s8, $0xFFFFF086  }
0x1c: {  	p1 =	slt.u32 s9, $0xF7A;
	s5 =	simm.s32 @!p2 $0x0  }
0x1d: {  	s5 =	simm.s32 @p1 $0x1;
	p0 =	seq.s32 s7, s2  }
0x1e: {  	s7 =	smul.u32 @!p0 $0xF7A, s2;
	p2 =	seq.s32 @!p0 s5, $0x0  }
0x1f: {  	s9 =	smul.u32 $0xF7A, s1;
	s8 =	simm.s32 @!p0 $0x1BF5;
	p2 =	por !p2, p0  }
0x20: {  	[sflag:s8] =	ssyncset.s32 @!p0 $0xFFFFF086;
	s6 =	sadd.s32 @!p0 s3, s7;
	s7 =	simm.s32 @!p0 $0x108  }
0x21: {  	s3 =	sadd.s32 s3, s9;
	s6 =	sadd.s32 @!p0 $0x88, s6;
	s7 =	simm.s32 @p2 $0x1082  }
0x22: {  	[simem:s7], [sflag:s8] =	dma.local @!p0 [hbm:s6], $0xF7A  }
0x23: {  	s9 =	sor.u32 $0xD0000000, s2;
	s6 =	simm.s32 $0x108;
	_ =	swait.ge @!p0 [sflag:s8], $0x0  }
0x24: {  	s3 =	sadd.s32 $0x88, s3;
	s6 =	simm.s32 @!p1 $0x1082;
	[sflag:s4] =	ssyncset.s32 $0xFFFFF086  }
0x25: {  	[simem:s6], [sflag:s4] =	dma.local [hbm:s3], $0xF7A  }
0x26: {  	[smem:$0x3F9F] =	sst s1;
	(tag) =	ssettag s2;
	_ =	strace s9  }
0x27: {  	s1 =	sld [smem:$0x3FAF]  }
0x28: {  	s2 =	sld [smem:$0x3FB0]  }
0x29: {  	s4 =	sld [smem:$0x3FB2]  }
0x2a: {  	p0 =	seq.s32 s5, $0x0;
	s5 =	sld [smem:$0x3FB3]  }
0x2b: {  	s6 =	sld [smem:$0x3FB4]  }
0x2c: {  	s7 =	sld [smem:$0x3FB5]  }
0x2d: {  	s3 =	simm.s32 $0x108;
	s8 =	sld [smem:$0x3FB6]  }
0x2e: {  	s3 =	simm.s32 @!p0 $0x1082;
	s9 =	sld [smem:$0x3FB7]  }
0x2f: {  	lr =	sadd.s32 s0, s3;
	s0 =	sld [smem:$0x3FAE]  }
0x30: {  	s3 =	sld [smem:$0x3FB1]  }
0x31: {  	[smem:$0x3FBA] =	sst s10  }
0x32: {  	s10 =	sld [smem:$0x3FB8];
	_ =	sdelay $0x3  }
0x33: {  	p0 =	seq.s32 s10, $0x1;
	s10 =	sld [smem:$0x3FBA];
	_ =	sdelay $0x3  }
0x34: {  	[smem:$0x3FBA] =	sst s10  }
0x35: {  	s10 =	sld [smem:$0x3FB9];
	_ =	sdelay $0x3  }
0x36: {  	p1 =	seq.s32 s10, $0x1;
	s10 =	sld [smem:$0x3FBA];
	_ =	sdelay $0x3  }
0x37: {  	[smem:$0x3FBA] =	sst s10  }
0x38: {  	s10 =	sld [smem:$0x3FBB]  }
0x39: {  	_ = 	snop;
	(pc) =	sbr.ind lr, $3  }
0x3a: {  	_ = 	snop  }
0x3b: {  	_ = 	snop  }
0x3c: {  	p2 =	seq.s32 s10, $0x1;
	s10 =	sld [smem:$0x3FBA]  }
0x3d: {  	_ =	shalt  }
0x3e: {  	_ =	shalt  }
0x3f: {  	_ =	shalt  }
0x40: {  	_ =	shalt  }
0x41: {  	_ =	shalt  }
0x42: {  	_ =	shalt  }
0x43: {  	_ =	shalt  }
0x44: {  	_ =	shalt  }
0x45: {  	_ =	shalt  }
0x46: {  	_ =	shalt  }
0x47: {  	_ =	shalt  }
0x48: {  	_ =	shalt  }
0x49: {  	_ =	shalt  }
0x4a: {  	_ =	shalt  }
0x4b: {  	_ =	shalt  }
0x4c: {  	_ =	shalt  }
0x4d: {  	_ =	shalt  }
0x4e: {  	_ =	shalt  }
0x4f: {  	_ =	shalt  }
0x50: {  	_ =	shalt  }
0x51: {  	_ =	shalt  }
0x52: {  	_ =	shalt  }
0x53: {  	_ =	shalt  }
0x54: {  	_ =	shalt  }
0x55: {  	_ =	shalt  }
0x56: {  	_ =	shalt  }
0x57: {  	_ =	shalt  }
0x58: {  	_ =	shalt  }
0x59: {  	_ =	shalt  }
0x5a: {  	_ =	shalt  }
0x5b: {  	_ =	shalt  }
0x5c: {  	_ =	shalt  }
0x5d: {  	_ =	shalt  }
0x5e: {  	_ =	shalt  }
0x5f: {  	_ =	shalt  }
0x60: {  	_ =	shalt  }
0x61: {  	_ =	shalt  }
0x62: {  	_ =	shalt  }
0x63: {  	_ =	shalt  }
0x64: {  	_ =	shalt  }
0x65: {  	_ =	shalt  }
0x66: {  	_ =	shalt  }
0x67: {  	_ =	shalt  }
0x68: {  	_ =	shalt  }
0x69: {  	_ =	shalt  }
0x6a: {  	_ =	shalt  }
0x6b: {  	_ =	shalt  }
0x6c: {  	_ =	shalt  }
0x6d: {  	_ =	shalt  }
0x6e: {  	_ =	shalt  }
0x6f: {  	_ =	shalt  }
0x70: {  	_ =	shalt  }
0x71: {  	_ =	shalt  }
0x72: {  	_ =	shalt  }
0x73: {  	_ =	shalt  }
0x74: {  	_ =	shalt  }
0x75: {  	_ =	shalt  }
0x76: {  	_ =	shalt  }
0x77: {  	_ =	shalt  }
0x78: {  	_ =	shalt  }
0x79: {  	_ =	shalt  }
0x7a: {  	_ =	shalt  }
0x7b: {  	_ =	shalt  }
0x7c: {  	_ =	shalt  }
0x7d: {  	_ =	shalt  }
0x7e: {  	_ =	shalt  }
0x7f: {  	_ =	shalt  }
0x80: {  	_ =	shalt  }
0x81: {  	_ =	shalt  }
0x82: {  	_ =	shalt  }
0x83: {  	_ =	shalt  }
0x84: {  	_ =	shalt  }
0x85: {  	_ =	shalt  }
0x86: {  	_ =	shalt  }
0x87: {  	_ =	shalt  }
.Lfunc_end0:
.L_simem_size_0:
called_computation_lowered:
.L_overlay_start_0:
0x88: {  	s2 =	sld [smem:$0x3FD9]  }
0x89: {  	s3 =	sld [smem:$0x3FFE];
	_ =	sdelay $0x1  }
0x8a: {  	s1 =	srdreg.scid  }
0x8b: {  	s0 =	sand.u32 $0x1, s1  }
0x8c: {  	s17 =	sshll.u32 s0, $0xA;
	s2 =	sadd.s32 s3, s2  }
0x8d: {  	s2 =	sadd.s32 s2, s17  }
0x8e: {  	[smem:$0x3FC6] =	sst s2  }
0x8f: {  	_ = 	snop  }
0x90: {  	s2 =	sld [smem:$0x3FC9];
	(tm) =	ssettm $0x1  }
0x91: {  	s18 =	sld [smem:$0x3FFB];
	_ =	sdelay $0x3  }
0x92: {  	_ =	strace s18  }
0x93: {  	s3 =	sld [smem:$0x3FFC];
	_ =	sdelay $0x3  }
0x94: {  	_ =	strace s3  }
0x95: {  	s3 =	sld [smem:$0x3FFD];
	_ =	sdelay $0x3  }
0x96: {  	_ =	strace s3  }
0x97: {  	_ =	strace $0x8FFFFFFF  }
0x98: {  	s19 =	sld [smem:$0x3FDB];
	_ =	sdelay $0x1  }
0x99: {  	s4 =	simm.s32 $_scs_section_size  }
0x9a: {  	s5 =	simm.s32 $_size__tile_overlayer_lowered;
	s6 =	simm.s32 $_tile_overlayer_lowered  }
0x9b: {  	s22 =	simm.s32 $0x1BFF;
	s21 =	sshll.u32 s6, $0x1;
	s3 =	sadd.s32 s4, s19  }
0x9c: {  	s7 =	simm.s32 $0x0;
	s20 =	sshll.u32 s5, $0x1;
	s5 =	sadd.s32 s21, s3  }
0x9d: {  	[timem:s7], [sflag:s22] =	dma.local [hbm:s5], s20  }
0x9e: {  	_ =	swait.ge [sflag:s22], s20  }
0x9f: {  	s4 =	ssub.s32 $0x0, s20;
	[sflag:s22] =	ssyncset.done $0x0  }
0xa0: {  	[sflag:s22] =	ssyncadd.s32 s4;
	_ =	sdelay $0x1  }
0xa1: {  	s23 =	simm.s32 $0x1B8B  }
0xa2: {  	_ =	swait.ge [sflag:s23], $0x1  }
0xa3: {  	[sflag:s23] =	ssyncset.done $0x0  }
0xa4: {  	s25 =	simm.s32 $0x1B8E;
	s24 =	sld [smem:$0x3FFE];
	[sflag:s23] =	ssyncadd.s32 $0xFFFFFFFF  }
0xa5: {  	s26 =	simm.s32 $execute0_lowered;
	[smem:$0x3FD2] =	sst s25  }
0xa6: {  	s5 =	sshll.u32 s26, $0x1;
	_ =	strace $0x80000046;
	[dreg:$0x1] =	wrdreg $0xFFFFFFFF  }
0xa7: {  	s28 =	simm.s32 $_size_execute0_lowered;
	s3 =	sadd.s32 s3, s5;
	[dreg:$0x0] =	wrdreg $0x0  }
0xa8: {  	s5 =	sshll.u32 s28, $0x1;
	[dreg:$0x2] =	wrdreg s3  }
0xa9: {  	[dreg:$0x3] =	wrdreg s5  }
0xaa: {  	[dreg:$0x4] =	wrdreg $0xC0  }
0xab: {  	_ =	task [dreg:s7], $0x5FFFF  }
0xac: {  	[dreg:$0x1] =	wrdreg $0xFFFFFFFF  }
0xad: {  	[dreg:$0x0] =	wrdreg $0x60  }
0xae: {  	[dreg:$0x2] =	wrdreg s2  }
0xaf: {  	[dreg:$0x3] =	wrdreg s24  }
0xb0: {  	[dreg:$0x4] =	wrdreg $0x0  }
0xb1: {  	[dreg:$0x5] =	wrdreg $0x9  }
0xb2: {  	_ =	task.clear_ibuf [dreg:s7], $0x6FFFF;
	_ =	strace $0x90000046  }
0xb3: {  	s29 =	simm.s32 $0x9;
	_ =	strace $0x80000048  }
0xb4: {  	_ =	swait.ge [sflag:s29], $0x1  }
0xb5: {  	[sflag:s29] =	ssyncadd.s32 $0xFFFFFFFF  }
0xb6: {  	_ =	strace $0x90000048  }
0xb7: {  	_ =	sfence  }
0xb8: {  	s30 =	sld [smem:$0x0];
	_ =	sdelay $0x2  }
0xb9: {  	s31 =	sshll.u32 s1, $0xD;
	s1 =	sshrl.u32 s1, $0x2  }
0xba: {  	s3 =	sand.u32 $0x4000, s31;
	s1 =	sadd.s32 s1, s30  }
0xbb: {  	s0 =	sor.u32 s3, s0;
	s1 =	sshll.u32 s1, $0x11  }
0xbc: {  	s0 =	sor.u32 s1, s0  }
0xbd: {  	s0 =	sadd.s32 $0x8F2B, s0  }
0xbe: {  	[sflag:s0] =	ssyncadd.remote.s32 $0x1  }
0xbf: {  	_ =	sfence.sel $0xFFFF  }
0xc0: {  	[dreg:$0x0] =	wrdreg $0xFFFFFFFF;
	(pc) =	sbr.abs _section_cstart, $3  }
0xc1: {  	[dreg:$0x1] =	wrdreg $0xFFFFFFFF  }
0xc2: {  	_ =	task.clear_ibuf [dreg:s7], $0x2FFFF;
	_ =	strace $0x9FFFFFFF  }
0xc3: {  	(tm) =	ssettm $0x7FFFFFFF  }
tec
execute0_lowered:
.L_overlay_start_1:
0x0: {  	(tag) =	ssettag $0x1  }
0x1: {  	s0 =	rddreg [dreg:$0x0]  }
0x2: {  	s4 =	rddreg [dreg:$0x1]  }
0x3: {  	s2 =	rddreg [dreg:$0x2]  }
0x4: {  	s1 =	stileid.u32;
	s5 =	srdreg.scid  }
0x5: {  	s3 =	simm.s32 $0x0;
	s11 =	simm.s32 $0x80;
	s12 =	simm.s32 $0x5000  }
0x6: {  	s13 =	simm.s32 $0x5400;
	s14 =	simm.s32 $0x5080;
	s15 =	simm.s32 $0x5100  }
0x7: {  	s16 =	simm.s32 $0x5180;
	s17 =	simm.s32 $0x5200;
	s18 =	simm.s32 $0x5280  }
0x8: {  	s19 =	simm.s32 $0x5300;
	s20 =	simm.s32 $0x5380;
	s21 =	simm.s32 $0x1  }
0x9: {  	s22 =	simm.s32 $0x2;
	s23 =	simm.s32 $0x3;
	s28 =	simm.s32 $0x6  }
0xa: {  	s29 =	simm.s32 $0x7;
	s30 =	simm.s32 $0x8;
	s24 =	smul.u32 $0x2800, s1  }
0xb: {  	s5 =	sand.u32 $0x1, s5;
	[smem:$0x7FF] =	sst s3;
	s8 =	smul.u32 $0x50000, s1  }
0xc: {  	s31 =	sshll.u32 s1, $0x6;
	s6 =	smul.u32 $0x28000, s5;
	s7 =	sshll.u32 s5, $0x4  }
0xd: {  	_ =	strace $0x80000047;
	s5 =	ssub.s32 $0x2, s5;
	s7 =	sor.u32 s1, s7  }
0xe: {  	s9 =	sadd.s32 s24, s4;
	s25 =	sshrl.u32 s5, $0x1;
	s8 =	sshrl.u32 s8, $0x2  }
0xf: {  	s7 =	smul.u32 $0x500, s7;
	s6 =	sadd.s32 s6, s4;
	s10 =	ssub.s32 s5, s25  }
0x10: {  	s26 =	sadd.s32 s8, s2;
	s5 =	sadd.s32 $0x400, s9;
	s8 =	simm.s32 $0x9  }
0x11: {  	s9 =	sor.u32 $0x1C09, s31;
	s25 =	sadd.s32 $0x28400, s6;
	s6 =	smax.u32 s10, $0x1  }
0x12: {  	s10 =	sshrl.u32 s26, $0x3;
	s26 =	simm.s32 $0x5;
	s4 =	sadd.s32 s0, s7  }
0x13: {  	v0 =	vimm.f32 $1.000000000e+00;
	s7 =	simm.s32 $0x2800;
	s24 =	sadd.s32 s24, s25;
	s25 =	simm.s32 $0x4  }
.LBB2_1:
0x14: {  	s0 =	simm.s32 $0x200;
	s31 =	simm.s32 $0x0  }
.LBB2_2:
0x15: {  	p0 =	sne.s32 s0, $0xFE00;
	[tilespmem:s31+$0x5400] =	vst v0;
	s31 =	smov.u32 s0;
	s0 =	sadd.s32 $0x200, s0  }
.Ltmp0:
0x16: {  	(pc) =	sbr.rel @p0 .LBB2_2-.Ltmp0, $2  }
0x17: {  	_ =	sdelay $0x2  }
0x18: {  	s31 =	sshra.s32 s31, $0x2  }
0x19: {  	[tilespmem:s31+$0x5400] =	vst v0;
	s31 =	simm.s32 $0x0  }
0x1a: {  	[tilespmem:s7], [sflag:$0x9] =	stream.linear.gather [hbm4b:s4+s31], $0x2800, $0x38;
	[tilespmem:$0x9400] =	vst v63  }
0x1b: {  	_ =	swait.ge [sflag:s8], $0x2800  }
0x1c: {  	[sflag:s8] =	ssyncset.done $0x0  }
0x1d: {  	[sflag:s8] =	ssyncadd.s32 $0xFFFFD800  }
0x1e: {  	[spmem:s10], [sflag:s9] =	dma.local [hbm:s5], $0x2800  }
0x1f: {  	_ =	swait.ge [sflag:s8], $0x2800  }
0x20: {  	[sflag:s8] =	ssyncset.done $0x0  }
0x21: {  	[sflag:s8] =	ssyncadd.s32 $0xFFFFD800  }
0x22: {  	[bflag:$0x0] =	sbarrier.arrive $0xFFFF  }
.LBB2_4:
0x23: {  	s0 =	sshra.s32 s31, $0x2  }
0x24: {  	v1 =	vld [tilespmem:s0+$0x2800];
	_ =	sdelay $0x4  }
0x25: {  	[tilespmem:$0x5000] =	vst v1  }
0x26: {  	v1 =	vld [tilespmem:s0+$0x2810];
	_ =	sdelay $0x4  }
0x27: {  	[tilespmem:$0x5010] =	vst v1  }
0x28: {  	v1 =	vld [tilespmem:s0+$0x2820];
	_ =	sdelay $0x4  }
0x29: {  	[tilespmem:$0x5020] =	vst v1  }
0x2a: {  	v1 =	vld [tilespmem:s0+$0x2830];
	_ =	sdelay $0x4  }
0x2b: {  	[tilespmem:$0x5030] =	vst v1  }
0x2c: {  	v1 =	vld [tilespmem:s0+$0x2840];
	_ =	sdelay $0x4  }
0x2d: {  	[tilespmem:$0x5040] =	vst v1  }
0x2e: {  	v1 =	vld [tilespmem:s0+$0x2850];
	_ =	sdelay $0x4  }
0x2f: {  	[tilespmem:$0x5050] =	vst v1  }
0x30: {  	v1 =	vld [tilespmem:s0+$0x2860];
	_ =	sdelay $0x4  }
0x31: {  	[tilespmem:$0x5060] =	vst v1  }
0x32: {  	v1 =	vld [tilespmem:s0+$0x2870];
	_ =	sdelay $0x4  }
0x33: {  	[tilespmem:$0x5070] =	vst v1  }
0x34: {  	[spmem:s2] =	stream.indirect.scatter.add.f32 [tilespmem:s13], [sflag:$0x1], $0x10, s12, s11, $0xb8;
	[tilespmem:$0x9400] =	vst v63  }
0x35: {  	v1 =	vld [tilespmem:s0+$0x2880];
	_ =	sdelay $0x4  }
0x36: {  	[tilespmem:$0x5080] =	vst v1  }
0x37: {  	v1 =	vld [tilespmem:s0+$0x2890];
	_ =	sdelay $0x4  }
0x38: {  	[tilespmem:$0x5090] =	vst v1  }
0x39: {  	v1 =	vld [tilespmem:s0+$0x28A0];
	_ =	sdelay $0x4  }
0x3a: {  	[tilespmem:$0x50A0] =	vst v1  }
0x3b: {  	v1 =	vld [tilespmem:s0+$0x28B0];
	_ =	sdelay $0x4  }
0x3c: {  	[tilespmem:$0x50B0] =	vst v1  }
0x3d: {  	v1 =	vld [tilespmem:s0+$0x28C0];
	_ =	sdelay $0x4  }
0x3e: {  	[tilespmem:$0x50C0] =	vst v1  }
0x3f: {  	v1 =	vld [tilespmem:s0+$0x28D0];
	_ =	sdelay $0x4  }
0x40: {  	[tilespmem:$0x50D0] =	vst v1  }
0x41: {  	v1 =	vld [tilespmem:s0+$0x28E0];
	_ =	sdelay $0x4  }
0x42: {  	[tilespmem:$0x50E0] =	vst v1  }
0x43: {  	v1 =	vld [tilespmem:s0+$0x28F0];
	_ =	sdelay $0x4  }
0x44: {  	[tilespmem:$0x50F0] =	vst v1  }
0x45: {  	[spmem:s2] =	stream.indirect.scatter.add.f32 [tilespmem:s13], [sflag:$0x2], $0x10, s14, s11, $0xb8;
	[tilespmem:$0x9400] =	vst v63  }
0x46: {  	v1 =	vld [tilespmem:s0+$0x2900];
	_ =	sdelay $0x4  }
0x47: {  	[tilespmem:$0x5100] =	vst v1  }
0x48: {  	v1 =	vld [tilespmem:s0+$0x2910];
	_ =	sdelay $0x4  }
0x49: {  	[tilespmem:$0x5110] =	vst v1  }
0x4a: {  	v1 =	vld [tilespmem:s0+$0x2920];
	_ =	sdelay $0x4  }
0x4b: {  	[tilespmem:$0x5120] =	vst v1  }
0x4c: {  	v1 =	vld [tilespmem:s0+$0x2930];
	_ =	sdelay $0x4  }
0x4d: {  	[tilespmem:$0x5130] =	vst v1  }
0x4e: {  	v1 =	vld [tilespmem:s0+$0x2940];
	_ =	sdelay $0x4  }
0x4f: {  	[tilespmem:$0x5140] =	vst v1  }
0x50: {  	v1 =	vld [tilespmem:s0+$0x2950];
	_ =	sdelay $0x4  }
0x51: {  	[tilespmem:$0x5150] =	vst v1  }
0x52: {  	v1 =	vld [tilespmem:s0+$0x2960];
	_ =	sdelay $0x4  }
0x53: {  	[tilespmem:$0x5160] =	vst v1  }
0x54: {  	v1 =	vld [tilespmem:s0+$0x2970];
	_ =	sdelay $0x4  }
0x55: {  	[tilespmem:$0x5170] =	vst v1  }
0x56: {  	[spmem:s2] =	stream.indirect.scatter.add.f32 [tilespmem:s13], [sflag:$0x3], $0x10, s15, s11, $0xb8;
	[tilespmem:$0x9400] =	vst v63  }
0x57: {  	v1 =	vld [tilespmem:s0+$0x2980];
	_ =	sdelay $0x4  }
0x58: {  	[tilespmem:$0x5180] =	vst v1  }
0x59: {  	v1 =	vld [tilespmem:s0+$0x2990];
	_ =	sdelay $0x4  }
0x5a: {  	[tilespmem:$0x5190] =	vst v1  }
0x5b: {  	v1 =	vld [tilespmem:s0+$0x29A0];
	_ =	sdelay $0x4  }
0x5c: {  	[tilespmem:$0x51A0] =	vst v1  }
0x5d: {  	v1 =	vld [tilespmem:s0+$0x29B0];
	_ =	sdelay $0x4  }
0x5e: {  	[tilespmem:$0x51B0] =	vst v1  }
0x5f: {  	v1 =	vld [tilespmem:s0+$0x29C0];
	_ =	sdelay $0x4  }
0x60: {  	[tilespmem:$0x51C0] =	vst v1  }
0x61: {  	v1 =	vld [tilespmem:s0+$0x29D0];
	_ =	sdelay $0x4  }
0x62: {  	[tilespmem:$0x51D0] =	vst v1  }
0x63: {  	v1 =	vld [tilespmem:s0+$0x29E0];
	_ =	sdelay $0x4  }
0x64: {  	[tilespmem:$0x51E0] =	vst v1  }
0x65: {  	v1 =	vld [tilespmem:s0+$0x29F0];
	_ =	sdelay $0x4  }
0x66: {  	[tilespmem:$0x51F0] =	vst v1  }
0x67: {  	[spmem:s2] =	stream.indirect.scatter.add.f32 [tilespmem:s13], [sflag:$0x4], $0x10, s16, s11, $0xb8;
	[tilespmem:$0x9400] =	vst v63  }
0x68: {  	v1 =	vld [tilespmem:s0+$0x2A00];
	_ =	sdelay $0x4  }
0x69: {  	[tilespmem:$0x5200] =	vst v1  }
0x6a: {  	v1 =	vld [tilespmem:s0+$0x2A10];
	_ =	sdelay $0x4  }
0x6b: {  	[tilespmem:$0x5210] =	vst v1  }
0x6c: {  	v1 =	vld [tilespmem:s0+$0x2A20];
	_ =	sdelay $0x4  }
0x6d: {  	[tilespmem:$0x5220] =	vst v1  }
0x6e: {  	v1 =	vld [tilespmem:s0+$0x2A30];
	_ =	sdelay $0x4  }
0x6f: {  	[tilespmem:$0x5230] =	vst v1  }
0x70: {  	v1 =	vld [tilespmem:s0+$0x2A40];
	_ =	sdelay $0x4  }
0x71: {  	[tilespmem:$0x5240] =	vst v1  }
0x72: {  	v1 =	vld [tilespmem:s0+$0x2A50];
	_ =	sdelay $0x4  }
0x73: {  	[tilespmem:$0x5250] =	vst v1  }
0x74: {  	v1 =	vld [tilespmem:s0+$0x2A60];
	_ =	sdelay $0x4  }
0x75: {  	[tilespmem:$0x5260] =	vst v1  }
0x76: {  	v1 =	vld [tilespmem:s0+$0x2A70];
	_ =	sdelay $0x4  }
0x77: {  	[tilespmem:$0x5270] =	vst v1  }
0x78: {  	[spmem:s2] =	stream.indirect.scatter.add.f32 [tilespmem:s13], [sflag:$0x5], $0x10, s17, s11, $0xb8;
	[tilespmem:$0x9400] =	vst v63  }
0x79: {  	v1 =	vld [tilespmem:s0+$0x2A80];
	_ =	sdelay $0x4  }
0x7a: {  	[tilespmem:$0x5280] =	vst v1  }
0x7b: {  	v1 =	vld [tilespmem:s0+$0x2A90];
	_ =	sdelay $0x4  }
0x7c: {  	[tilespmem:$0x5290] =	vst v1  }
0x7d: {  	v1 =	vld [tilespmem:s0+$0x2AA0];
	_ =	sdelay $0x4  }
0x7e: {  	[tilespmem:$0x52A0] =	vst v1  }
0x7f: {  	v1 =	vld [tilespmem:s0+$0x2AB0];
	_ =	sdelay $0x4  }
0x80: {  	[tilespmem:$0x52B0] =	vst v1  }
0x81: {  	v1 =	vld [tilespmem:s0+$0x2AC0];
	_ =	sdelay $0x4  }
0x82: {  	[tilespmem:$0x52C0] =	vst v1  }
0x83: {  	v1 =	vld [tilespmem:s0+$0x2AD0];
	_ =	sdelay $0x4  }
0x84: {  	[tilespmem:$0x52D0] =	vst v1  }
0x85: {  	v1 =	vld [tilespmem:s0+$0x2AE0];
	_ =	sdelay $0x4  }
0x86: {  	[tilespmem:$0x52E0] =	vst v1  }
0x87: {  	v1 =	vld [tilespmem:s0+$0x2AF0];
	_ =	sdelay $0x4  }
0x88: {  	[tilespmem:$0x52F0] =	vst v1  }
0x89: {  	[spmem:s2] =	stream.indirect.scatter.add.f32 [tilespmem:s13], [sflag:$0x6], $0x10, s18, s11, $0xb8;
	[tilespmem:$0x9400] =	vst v63  }
0x8a: {  	v1 =	vld [tilespmem:s0+$0x2B00];
	_ =	sdelay $0x4  }
0x8b: {  	[tilespmem:$0x5300] =	vst v1  }
0x8c: {  	v1 =	vld [tilespmem:s0+$0x2B10];
	_ =	sdelay $0x4  }
0x8d: {  	[tilespmem:$0x5310] =	vst v1  }
0x8e: {  	v1 =	vld [tilespmem:s0+$0x2B20];
	_ =	sdelay $0x4  }
0x8f: {  	[tilespmem:$0x5320] =	vst v1  }
0x90: {  	v1 =	vld [tilespmem:s0+$0x2B30];
	_ =	sdelay $0x4  }
0x91: {  	[tilespmem:$0x5330] =	vst v1  }
0x92: {  	v1 =	vld [tilespmem:s0+$0x2B40];
	_ =	sdelay $0x4  }
0x93: {  	[tilespmem:$0x5340] =	vst v1  }
0x94: {  	v1 =	vld [tilespmem:s0+$0x2B50];
	_ =	sdelay $0x4  }
0x95: {  	[tilespmem:$0x5350] =	vst v1  }
0x96: {  	v1 =	vld [tilespmem:s0+$0x2B60];
	_ =	sdelay $0x4  }
0x97: {  	[tilespmem:$0x5360] =	vst v1  }
0x98: {  	v1 =	vld [tilespmem:s0+$0x2B70];
	_ =	sdelay $0x4  }
0x99: {  	[tilespmem:$0x5370] =	vst v1  }
0x9a: {  	[spmem:s2] =	stream.indirect.scatter.add.f32 [tilespmem:s13], [sflag:$0x7], $0x10, s19, s11, $0xb8;
	[tilespmem:$0x9400] =	vst v63  }
0x9b: {  	v1 =	vld [tilespmem:s0+$0x2B80];
	_ =	sdelay $0x4  }
0x9c: {  	[tilespmem:$0x5380] =	vst v1  }
0x9d: {  	v1 =	vld [tilespmem:s0+$0x2B90];
	_ =	sdelay $0x4  }
0x9e: {  	[tilespmem:$0x5390] =	vst v1  }
0x9f: {  	v1 =	vld [tilespmem:s0+$0x2BA0];
	_ =	sdelay $0x4  }
0xa0: {  	[tilespmem:$0x53A0] =	vst v1  }
0xa1: {  	v1 =	vld [tilespmem:s0+$0x2BB0];
	_ =	sdelay $0x4  }
0xa2: {  	[tilespmem:$0x53B0] =	vst v1  }
0xa3: {  	v1 =	vld [tilespmem:s0+$0x2BC0];
	_ =	sdelay $0x4  }
0xa4: {  	[tilespmem:$0x53C0] =	vst v1  }
0xa5: {  	v1 =	vld [tilespmem:s0+$0x2BD0];
	_ =	sdelay $0x4  }
0xa6: {  	[tilespmem:$0x53D0] =	vst v1  }
0xa7: {  	v1 =	vld [tilespmem:s0+$0x2BE0];
	_ =	sdelay $0x4  }
0xa8: {  	[tilespmem:$0x53E0] =	vst v1  }
0xa9: {  	v1 =	vld [tilespmem:s0+$0x2BF0];
	_ =	sdelay $0x4  }
0xaa: {  	[tilespmem:$0x53F0] =	vst v1  }
0xab: {  	[spmem:s2] =	stream.indirect.scatter.add.f32 [tilespmem:s13], [sflag:$0x8], $0x10, s20, s11, $0xb8;
	[tilespmem:$0x9400] =	vst v63  }
0xac: {  	_ =	swait.ge [sflag:s21], $0x800  }
0xad: {  	[sflag:s21] =	ssyncset.done $0x0  }
0xae: {  	[sflag:s21] =	ssyncadd.s32 $0xFFFFF800  }
0xaf: {  	_ =	swait.ge [sflag:s22], $0x800  }
0xb0: {  	[sflag:s22] =	ssyncset.done $0x0  }
0xb1: {  	[sflag:s22] =	ssyncadd.s32 $0xFFFFF800  }
0xb2: {  	_ =	swait.ge [sflag:s23], $0x800  }
0xb3: {  	[sflag:s23] =	ssyncset.done $0x0  }
0xb4: {  	[sflag:s23] =	ssyncadd.s32 $0xFFFFF800  }
0xb5: {  	_ =	swait.ge [sflag:s25], $0x800  }
0xb6: {  	[sflag:s25] =	ssyncset.done $0x0  }
0xb7: {  	[sflag:s25] =	ssyncadd.s32 $0xFFFFF800  }
0xb8: {  	_ =	swait.ge [sflag:s26], $0x800  }
0xb9: {  	[sflag:s26] =	ssyncset.done $0x0  }
0xba: {  	[sflag:s26] =	ssyncadd.s32 $0xFFFFF800  }
0xbb: {  	_ =	swait.ge [sflag:s28], $0x800  }
0xbc: {  	[sflag:s28] =	ssyncset.done $0x0  }
0xbd: {  	[sflag:s28] =	ssyncadd.s32 $0xFFFFF800  }
0xbe: {  	p0 =	sne.s32 s31, $0x9000;
	_ =	swait.ge [sflag:s29], $0x800  }
.Ltmp1:
0xbf: {  	[sflag:s29] =	ssyncset.done $0x0;
	(pc) =	sbr.rel @p0 .LBB2_4-.Ltmp1, $4  }
0xc0: {  	[sflag:s29] =	ssyncadd.s32 $0xFFFFF800  }
0xc1: {  	_ =	swait.ge [sflag:s30], $0x800  }
0xc2: {  	[sflag:s30] =	ssyncset.done $0x0  }
0xc3: {  	s31 =	sadd.s32 $0x1000, s31;
	[sflag:s30] =	ssyncadd.s32 $0xFFFFF800  }
0xc4: {  	s3 =	sadd.s32 $0x1, s3  }
0xc5: {  	p0 =	sne.s32 s3, s6  }
.Ltmp2:
0xc6: {  	[bflag:$0x0] =	sbarrier.arrive $0xFFFF;
	(pc) =	sbr.rel @p0 .LBB2_1-.Ltmp2, $4  }
0xc7: {  	[hbm:s24], [sflag:s9] =	dma.local [spmem:s10], $0x2800  }
0xc8: {  	_ =	swait.ge [sflag:s8], $0x2800  }
0xc9: {  	[sflag:s8] =	ssyncset.done $0x0  }
0xca: {  	[sflag:s8] =	ssyncadd.s32 $0xFFFFD800  }
0xcb: {  	_ =	sfence.sel $0x180000  }
0xcc: {  	[bflag:$0x0] =	sbarrier.arrive $0xFFFF  }
0xcd: {  	_ =	strace $0x90000047  }
0xce: {  	[bflag:$0x2] =	sbarrier.arrive $0xFFFF  }
0xcf: {  	p0 =	sne.s32 s1, $0x0;
	s0 =	rddreg [dreg:$0x3]  }
0xd0: {  	s0 =	sadd.s32 @!p0 $0x100000, s0  }
0xd1: {  	[sflag:s0] =	ssyncadd.tile.s32 @!p0 $0x1;
	_ =	shalt  }
.Lfunc_end2:
_tile_overlayer_lowered:
.L_overlay_start_2:
0xd2: {  	(tag) =	ssettag $0x2  }
0xd3: {  	s0 =	rddreg [dreg:$0x0];
	s2 =	stileid.u32  }
0xd4: {  	s1 =	rddreg [dreg:$0x1];
	p0 =	sne.s32 s2, $0x0  }
0xd5: {  	s3 =	rddreg [dreg:$0x2];
	[bflag:$0x3] =	sbarrier.arrive $0xFFFF;
	s2 =	simm.s32 @!p0 $0x1C09  }
0xd6: {  	[timem:s3], [sflag:s2] =	dma.local @!p0 [hbm:s0], s1  }
0xd7: {  	s0 =	simm.s32 @!p0 $0x9  }
0xd8: {  	_ =	swait.ge @!p0 [sflag:s0], s1  }
0xd9: {  	s1 =	ssub.s32 @!p0 $0x0, s1;
	[sflag:s0] =	ssyncset.done @!p0 $0x0  }
0xda: {  	[sflag:s0] =	ssyncadd.s32 @!p0 s1  }
0xdb: {  	[bflag:$0x3] =	sbarrier.arrive $0xFFFF  }
0xdc: {  	_ =	shalt  }

</sc_bundles>
